<compile_context>
chip_gen: v7x
topology: tpu7x:2x2x1
jax: 0.10.2.dev20260603
libtpu: 0.0.44.dev20260713+nightly
codegen_flags: <defaults>
</compile_context>

<pallas_src>
import functools

import jax
import jax.numpy as jnp
from jax import lax
from jax.experimental import pallas as pl
from jax.experimental.pallas import tpu as pltpu
from jax.experimental.pallas import tpu_sc as plsc

_GENE_VOCAB = 60697
_VALUE_VOCAB = 51
_VPAD = 56
_D = 512
_B, _L = 64, 1200
_N = _B * _L
_NC, _NS = 2, 16
_NW = _NC * _NS
_PER_W = _N // _NW
_C = 48
_NCHUNK = _PER_W // _C
_NK = _NCHUNK // 2

_mesh = plsc.VectorSubcoreMesh(core_axis_name="c", subcore_axis_name="s")


@functools.partial(
    pl.kernel,
    mesh=_mesh,
    out_type=jax.ShapeDtypeStruct((_N, _D), jnp.float32),
    scratch_types=[
        pltpu.VMEM((_PER_W,), jnp.int32),
        pltpu.VMEM((_PER_W,), jnp.int32),
        pltpu.VMEM((_C, _D), jnp.float32),
        pltpu.VMEM((_C, _D), jnp.float32),
        pltpu.VMEM((_C, _D), jnp.float32),
        pltpu.VMEM((_C, _D), jnp.float32),
        pltpu.HBM((_NW * _VPAD, _D), jnp.float32),
        pltpu.SemaphoreType.DMA,
        pltpu.SemaphoreType.DMA,
        pltpu.SemaphoreType.DMA,
        pltpu.SemaphoreType.DMA,
        pltpu.SemaphoreType.DMA,
        pltpu.SemaphoreType.DMA,
    ],
)
def _sc_embed(ids_hbm, vals_hbm, gene_hbm, vtab_hbm, out_hbm,
              gidx, vidx, g0, v0, g1, v1, vrep,
              sg0, sv0, sg1, sv1, so0, so1):
    wid = lax.axis_index("s") * _NC + lax.axis_index("c")
    base = wid * _PER_W

    pltpu.sync_copy(vtab_hbm.at[pl.ds(0, _C)], v0)
    pltpu.sync_copy(v0, vrep.at[pl.ds(wid * _VPAD, _C)])
    pltpu.sync_copy(vtab_hbm.at[pl.ds(_C, _VPAD - _C)], v0.at[pl.ds(0, _VPAD - _C)])
    pltpu.sync_copy(v0.at[pl.ds(0, _VPAD - _C)], vrep.at[pl.ds(wid * _VPAD + _C, _VPAD - _C)])

    pltpu.sync_copy(ids_hbm.at[pl.ds(base, _PER_W)], gidx)
    pltpu.sync_copy(vals_hbm.at[pl.ds(base, _PER_W)], vidx)

    vbase = wid * _VPAD

    def rebase(i, carry):
        sl = pl.ds(pl.multiple_of(i * 16, 16), 16)
        vidx[sl] = vidx[sl] + vbase
        return carry

    lax.fori_loop(0, _PER_W // 16, rebase, 0)

    def issue_gathers(ci, gbuf, vbuf, sg, sv):
        isl = pl.ds(pl.multiple_of(ci * _C, _C), _C)
        pltpu.async_copy(gene_hbm.at[gidx.at[isl]], gbuf, sg)
        pltpu.async_copy(vrep.at[vidx.at[isl]], vbuf, sv)

    def wait_gathers(ci, gbuf, vbuf, sg, sv):
        isl = pl.ds(pl.multiple_of(ci * _C, _C), _C)
        pltpu.make_async_copy(gene_hbm.at[gidx.at[isl]], gbuf, sg).wait()
        pltpu.make_async_copy(vrep.at[vidx.at[isl]], vbuf, sv).wait()

    def out_slice(ci):
        return out_hbm.at[pl.ds(pl.multiple_of(base + ci * _C, _C), _C)]

    def add_rows(gbuf, vbuf):
        def body(r, carry):
            for j in range(_D // 16):
                sl = pl.ds(j * 16, 16)
                gbuf[r, sl] = gbuf[r, sl] + vbuf[r, sl]
            return carry
        lax.fori_loop(0, _C, body, 0)

    issue_gathers(0, g0, v0, sg0, sv0)

    def round_body(k, carry):
        a = 2 * k
        b = a + 1

        @pl.when(k > 0)
        def _():
            pltpu.make_async_copy(g1, out_slice(b - 2), so1).wait()

        issue_gathers(b, g1, v1, sg1, sv1)

        wait_gathers(a, g0, v0, sg0, sv0)
        add_rows(g0, v0)
        pltpu.async_copy(g0, out_slice(a), so0)

        @pl.when(k < _NK - 1)
        def _():
            pltpu.make_async_copy(g0, out_slice(a), so0).wait()
            issue_gathers(a + 2, g0, v0, sg0, sv0)

        wait_gathers(b, g1, v1, sg1, sv1)
        add_rows(g1, v1)
        pltpu.async_copy(g1, out_slice(b), so1)
        return carry

    lax.fori_loop(0, _NK, round_body, 0)
    pltpu.make_async_copy(g0, out_slice(_NCHUNK - 2), so0).wait()
    pltpu.make_async_copy(g1, out_slice(_NCHUNK - 1), so1).wait()


def kernel(input_ids, values, gene_table, value_table):
    ids = input_ids.reshape(-1).astype(jnp.int32)
    vals = values.reshape(-1).astype(jnp.int32)
    vtab_padded = jnp.pad(value_table, ((0, _VPAD - _VALUE_VOCAB), (0, 0)))
    out = _sc_embed(ids, vals, gene_table, vtab_padded)
    return out.reshape(_B, _L, _D)

# --- scband reference (transcript-rebuilt; emitter-appended) ---
"""Pipeline reference for scband-sc-gptembeddings-19894288515710 (READ-ONLY COPY).

The authoritative reference and input builder live on the scoring server;
editing this copy changes nothing except your own understanding.
"""

import jax, jax.numpy as jnp
import numpy as np

GENE_VOCAB = 60697
VALUE_VOCAB = 51
EMBED_DIM = 512
B, L = 64, 1200

def setup_inputs(seed: int = 0) -> dict:
    key = jax.random.key(seed)
    k1, k2, k3, k4 = jax.random.split(key, 4)
    input_ids = jax.random.randint(k1, (B, L), 0, GENE_VOCAB, dtype=jnp.int64)
    values = jax.random.randint(k2, (B, L), 0, VALUE_VOCAB, dtype=jnp.int64)
    gene_table = jax.random.normal(k3, (GENE_VOCAB, EMBED_DIM), dtype=jnp.float32) * 0.02
    value_table = jax.random.normal(k4, (VALUE_VOCAB, EMBED_DIM), dtype=jnp.float32) * 0.02
    return {"input_ids": input_ids, "values": values, "gene_table": gene_table, "value_table": value_table}

def reference(input_ids, values, gene_table, value_table):
    # genes_embs = embedder_genes(X['input_ids'])
    genes_embs = jnp.take(gene_table, input_ids, axis=0)
    # values_embs = embedder_values(X['values'])
    values_embs = jnp.take(value_table, values, axis=0)
    # embs = genes_embs + values_embs
    embs = genes_embs + values_embs
    return embs

if __name__ == "__main__":
    import jax
    _d = setup_inputs()
    print(jax.jit(kernel)(*tuple(_d.values())))

</pallas_src>

<mosaic_0001>
#map = affine_map<(d0, d1) -> (0)>
#map1 = affine_map<(d0, d1) -> (0, 0)>
module attributes {stable_mosaic.version = 14 : i64} {
  func.func @_sc_embed(%arg0: i32, %arg1: i32, %arg2: memref<76800xi32, #tpu.memory_space<hbm>>, %arg3: memref<76800xi32, #tpu.memory_space<hbm>>, %arg4: memref<60697x512xf32, #tpu.memory_space<hbm>>, %arg5: memref<56x512xf32, #tpu.memory_space<hbm>>, %arg6: memref<76800x512xf32, #tpu.memory_space<hbm>>, %arg7: memref<2400xi32, #tpu.memory_space<vmem>>, %arg8: memref<2400xi32, #tpu.memory_space<vmem>>, %arg9: memref<48x512xf32, #tpu.memory_space<vmem>>, %arg10: memref<48x512xf32, #tpu.memory_space<vmem>>, %arg11: memref<48x512xf32, #tpu.memory_space<vmem>>, %arg12: memref<48x512xf32, #tpu.memory_space<vmem>>, %arg13: memref<1792x512xf32, #tpu.memory_space<hbm>>, %arg14: memref<!tpu.dma_semaphore, #tpu.memory_space<semaphore_mem>>, %arg15: memref<!tpu.dma_semaphore, #tpu.memory_space<semaphore_mem>>, %arg16: memref<!tpu.dma_semaphore, #tpu.memory_space<semaphore_mem>>, %arg17: memref<!tpu.dma_semaphore, #tpu.memory_space<semaphore_mem>>, %arg18: memref<!tpu.dma_semaphore, #tpu.memory_space<semaphore_mem>>, %arg19: memref<!tpu.dma_semaphore, #tpu.memory_space<semaphore_mem>>) attributes {dimension_semantics = [#tpu.dimension_semantics<core_parallel>, #tpu.dimension_semantics<subcore_parallel>], iteration_bounds = array<i64: 2, 16>, scalar_prefetch = 0 : i64, scratch_operands = 13 : i64, tpu.core_type = #tpu.core_type<sc_vector_subcore>, window_params = [{transform_indices = #map}, {transform_indices = #map}, {transform_indices = #map1}, {transform_indices = #map1}, {transform_indices = #map1}]} {
    %mul3A = arith.constant 2 : i32
    %mul3A_0 = arith.muli %arg1, %mul3A : i32
    %add3A = arith.addi %mul3A_0, %arg0 : i32
    %mul3A_1 = arith.constant 2400 : i32
    %mul3A_2 = arith.muli %add3A, %mul3A_1 : i32
    "tpu.region"() ({
      %run_scoped3A = tpu.sem_alloc : memref<!tpu.dma_semaphore, #tpu.memory_space<semaphore_mem>>
      %dma_start3A_43 = arith.constant 0 : i32
      %dma_start3A_44 = arith.constant 0 : i32
      %dma_start3A_45 = tpu.memref_slice %arg5[%dma_start3A_43, %dma_start3A_44] : memref<56x512xf32, #tpu.memory_space<hbm>> -> memref<48x512xf32, #tpu.memory_space<hbm>>
      %dma_start3A_46 = arith.constant 0 : i32
      %dma_start3A_47 = arith.constant 0 : i32
      %dma_start3A_48 = tpu.memref_slice %arg5[%dma_start3A_46, %dma_start3A_47] : memref<56x512xf32, #tpu.memory_space<hbm>> -> memref<48x512xf32, #tpu.memory_space<hbm>>
      tpu.enqueue_dma source(%dma_start3A_48 : memref<48x512xf32, #tpu.memory_space<hbm>>) target(%arg10 : memref<48x512xf32, #tpu.memory_space<vmem>>) target_semaphore(%run_scoped3A : memref<!tpu.dma_semaphore, #tpu.memory_space<semaphore_mem>>)
      %dma_wait3A_49 = arith.constant 0 : i32
      %dma_wait3A_50 = arith.constant 0 : i32
      %dma_wait3A_51 = tpu.memref_slice %arg5[%dma_wait3A_49, %dma_wait3A_50] : memref<56x512xf32, #tpu.memory_space<hbm>> -> memref<48x512xf32, #tpu.memory_space<hbm>>
      %dma_wait3A_52 = arith.constant 0 : i32
      %dma_wait3A_53 = arith.constant 0 : i32
      %dma_wait3A_54 = tpu.memref_slice %arg5[%dma_wait3A_52, %dma_wait3A_53] : memref<56x512xf32, #tpu.memory_space<hbm>> -> memref<48x512xf32, #tpu.memory_space<hbm>>
      tpu.wait_dma2 semaphore(%run_scoped3A : memref<!tpu.dma_semaphore, #tpu.memory_space<semaphore_mem>>) src(%dma_wait3A_54 : memref<48x512xf32, #tpu.memory_space<hbm>>) dst(%arg10 : memref<48x512xf32, #tpu.memory_space<vmem>>)
      tpu.yield
    }) : () -> ()
    %mul3A_3 = arith.constant 56 : i32
    %mul3A_4 = arith.muli %add3A, %mul3A_3 : i32
    "tpu.region"() ({
      %run_scoped3A = tpu.sem_alloc : memref<!tpu.dma_semaphore, #tpu.memory_space<semaphore_mem>>
      %dma_start3A_43 = arith.constant 0 : i32
      %dma_start3A_44 = tpu.memref_slice %arg13[%mul3A_4, %dma_start3A_43] : memref<1792x512xf32, #tpu.memory_space<hbm>> -> memref<48x512xf32, #tpu.memory_space<hbm>>
      %dma_start3A_45 = arith.constant 0 : i32
      %dma_start3A_46 = tpu.memref_slice %arg13[%mul3A_4, %dma_start3A_45] : memref<1792x512xf32, #tpu.memory_space<hbm>> -> memref<48x512xf32, #tpu.memory_space<hbm>>
      tpu.enqueue_dma source(%arg10 : memref<48x512xf32, #tpu.memory_space<vmem>>) target(%dma_start3A_46 : memref<48x512xf32, #tpu.memory_space<hbm>>) target_semaphore(%run_scoped3A : memref<!tpu.dma_semaphore, #tpu.memory_space<semaphore_mem>>)
      %dma_wait3A_47 = arith.constant 0 : i32
      %dma_wait3A_48 = tpu.memref_slice %arg13[%mul3A_4, %dma_wait3A_47] : memref<1792x512xf32, #tpu.memory_space<hbm>> -> memref<48x512xf32, #tpu.memory_space<hbm>>
      %dma_wait3A_49 = arith.constant 0 : i32
      %dma_wait3A_50 = tpu.memref_slice %arg13[%mul3A_4, %dma_wait3A_49] : memref<1792x512xf32, #tpu.memory_space<hbm>> -> memref<48x512xf32, #tpu.memory_space<hbm>>
      tpu.wait_dma2 semaphore(%run_scoped3A : memref<!tpu.dma_semaphore, #tpu.memory_space<semaphore_mem>>) src(%arg10 : memref<48x512xf32, #tpu.memory_space<vmem>>) dst(%dma_wait3A_50 : memref<48x512xf32, #tpu.memory_space<hbm>>)
      tpu.yield
    }) : () -> ()
    "tpu.region"() ({
      %run_scoped3A = tpu.sem_alloc : memref<!tpu.dma_semaphore, #tpu.memory_space<semaphore_mem>>
      %dma_start3A_43 = arith.constant 0 : i32
      %dma_start3A_44 = arith.constant 0 : i32
      %dma_start3A_45 = tpu.memref_slice %arg10[%dma_start3A_43, %dma_start3A_44] : memref<48x512xf32, #tpu.memory_space<vmem>> -> memref<8x512xf32, #tpu.memory_space<vmem>>
      %dma_start3A_46 = arith.constant 48 : i32
      %dma_start3A_47 = arith.constant 0 : i32
      %dma_start3A_48 = tpu.memref_slice %arg5[%dma_start3A_46, %dma_start3A_47] : memref<56x512xf32, #tpu.memory_space<hbm>> -> memref<8x512xf32, #tpu.memory_space<hbm>>
      %dma_start3A_49 = arith.constant 0 : i32
      %dma_start3A_50 = arith.constant 0 : i32
      %dma_start3A_51 = tpu.memref_slice %arg10[%dma_start3A_49, %dma_start3A_50] : memref<48x512xf32, #tpu.memory_space<vmem>> -> memref<8x512xf32, #tpu.memory_space<vmem>>
      %dma_start3A_52 = arith.constant 48 : i32
      %dma_start3A_53 = arith.constant 0 : i32
      %dma_start3A_54 = tpu.memref_slice %arg5[%dma_start3A_52, %dma_start3A_53] : memref<56x512xf32, #tpu.memory_space<hbm>> -> memref<8x512xf32, #tpu.memory_space<hbm>>
      tpu.enqueue_dma source(%dma_start3A_54 : memref<8x512xf32, #tpu.memory_space<hbm>>) target(%dma_start3A_51 : memref<8x512xf32, #tpu.memory_space<vmem>>) target_semaphore(%run_scoped3A : memref<!tpu.dma_semaphore, #tpu.memory_space<semaphore_mem>>)
      %dma_wait3A_55 = arith.constant 0 : i32
      %dma_wait3A_56 = arith.constant 0 : i32
      %dma_wait3A_57 = tpu.memref_slice %arg10[%dma_wait3A_55, %dma_wait3A_56] : memref<48x512xf32, #tpu.memory_space<vmem>> -> memref<8x512xf32, #tpu.memory_space<vmem>>
      %dma_wait3A_58 = arith.constant 48 : i32
      %dma_wait3A_59 = arith.constant 0 : i32
      %dma_wait3A_60 = tpu.memref_slice %arg5[%dma_wait3A_58, %dma_wait3A_59] : memref<56x512xf32, #tpu.memory_space<hbm>> -> memref<8x512xf32, #tpu.memory_space<hbm>>
      %dma_wait3A_61 = arith.constant 0 : i32
      %dma_wait3A_62 = arith.constant 0 : i32
      %dma_wait3A_63 = tpu.memref_slice %arg10[%dma_wait3A_61, %dma_wait3A_62] : memref<48x512xf32, #tpu.memory_space<vmem>> -> memref<8x512xf32, #tpu.memory_space<vmem>>
      %dma_wait3A_64 = arith.constant 48 : i32
      %dma_wait3A_65 = arith.constant 0 : i32
      %dma_wait3A_66 = tpu.memref_slice %arg5[%dma_wait3A_64, %dma_wait3A_65] : memref<56x512xf32, #tpu.memory_space<hbm>> -> memref<8x512xf32, #tpu.memory_space<hbm>>
      tpu.wait_dma2 semaphore(%run_scoped3A : memref<!tpu.dma_semaphore, #tpu.memory_space<semaphore_mem>>) src(%dma_wait3A_66 : memref<8x512xf32, #tpu.memory_space<hbm>>) dst(%dma_wait3A_63 : memref<8x512xf32, #tpu.memory_space<vmem>>)
      tpu.yield
    }) : () -> ()
    %mul3A_5 = arith.constant 56 : i32
    %mul3A_6 = arith.muli %add3A, %mul3A_5 : i32
    %add3A_7 = arith.constant 48 : i32
    %add3A_8 = arith.addi %mul3A_6, %add3A_7 : i32
    "tpu.region"() ({
      %run_scoped3A = tpu.sem_alloc : memref<!tpu.dma_semaphore, #tpu.memory_space<semaphore_mem>>
      %dma_start3A_43 = arith.constant 0 : i32
      %dma_start3A_44 = arith.constant 0 : i32
      %dma_start3A_45 = tpu.memref_slice %arg10[%dma_start3A_43, %dma_start3A_44] : memref<48x512xf32, #tpu.memory_space<vmem>> -> memref<8x512xf32, #tpu.memory_space<vmem>>
      %dma_start3A_46 = arith.constant 0 : i32
      %dma_start3A_47 = tpu.memref_slice %arg13[%add3A_8, %dma_start3A_46] : memref<1792x512xf32, #tpu.memory_space<hbm>> -> memref<8x512xf32, #tpu.memory_space<hbm>>
      %dma_start3A_48 = arith.constant 0 : i32
      %dma_start3A_49 = tpu.memref_slice %arg13[%add3A_8, %dma_start3A_48] : memref<1792x512xf32, #tpu.memory_space<hbm>> -> memref<8x512xf32, #tpu.memory_space<hbm>>
      %dma_start3A_50 = arith.constant 0 : i32
      %dma_start3A_51 = arith.constant 0 : i32
      %dma_start3A_52 = tpu.memref_slice %arg10[%dma_start3A_50, %dma_start3A_51] : memref<48x512xf32, #tpu.memory_space<vmem>> -> memref<8x512xf32, #tpu.memory_space<vmem>>
      tpu.enqueue_dma source(%dma_start3A_52 : memref<8x512xf32, #tpu.memory_space<vmem>>) target(%dma_start3A_49 : memref<8x512xf32, #tpu.memory_space<hbm>>) target_semaphore(%run_scoped3A : memref<!tpu.dma_semaphore, #tpu.memory_space<semaphore_mem>>)
      %dma_wait3A_53 = arith.constant 0 : i32
      %dma_wait3A_54 = arith.constant 0 : i32
      %dma_wait3A_55 = tpu.memref_slice %arg10[%dma_wait3A_53, %dma_wait3A_54] : memref<48x512xf32, #tpu.memory_space<vmem>> -> memref<8x512xf32, #tpu.memory_space<vmem>>
      %dma_wait3A_56 = arith.constant 0 : i32
      %dma_wait3A_57 = tpu.memref_slice %arg13[%add3A_8, %dma_wait3A_56] : memref<1792x512xf32, #tpu.memory_space<hbm>> -> memref<8x512xf32, #tpu.memory_space<hbm>>
      %dma_wait3A_58 = arith.constant 0 : i32
      %dma_wait3A_59 = tpu.memref_slice %arg13[%add3A_8, %dma_wait3A_58] : memref<1792x512xf32, #tpu.memory_space<hbm>> -> memref<8x512xf32, #tpu.memory_space<hbm>>
      %dma_wait3A_60 = arith.constant 0 : i32
      %dma_wait3A_61 = arith.constant 0 : i32
      %dma_wait3A_62 = tpu.memref_slice %arg10[%dma_wait3A_60, %dma_wait3A_61] : memref<48x512xf32, #tpu.memory_space<vmem>> -> memref<8x512xf32, #tpu.memory_space<vmem>>
      tpu.wait_dma2 semaphore(%run_scoped3A : memref<!tpu.dma_semaphore, #tpu.memory_space<semaphore_mem>>) src(%dma_wait3A_62 : memref<8x512xf32, #tpu.memory_space<vmem>>) dst(%dma_wait3A_59 : memref<8x512xf32, #tpu.memory_space<hbm>>)
      tpu.yield
    }) : () -> ()
    "tpu.region"() ({
      %run_scoped3A = tpu.sem_alloc : memref<!tpu.dma_semaphore, #tpu.memory_space<semaphore_mem>>
      %dma_start3A_43 = tpu.memref_slice %arg2[%mul3A_2] : memref<76800xi32, #tpu.memory_space<hbm>> -> memref<2400xi32, #tpu.memory_space<hbm>>
      %dma_start3A_44 = tpu.memref_slice %arg2[%mul3A_2] : memref<76800xi32, #tpu.memory_space<hbm>> -> memref<2400xi32, #tpu.memory_space<hbm>>
      tpu.enqueue_dma source(%dma_start3A_44 : memref<2400xi32, #tpu.memory_space<hbm>>) target(%arg7 : memref<2400xi32, #tpu.memory_space<vmem>>) target_semaphore(%run_scoped3A : memref<!tpu.dma_semaphore, #tpu.memory_space<semaphore_mem>>)
      %dma_wait3A_45 = tpu.memref_slice %arg2[%mul3A_2] : memref<76800xi32, #tpu.memory_space<hbm>> -> memref<2400xi32, #tpu.memory_space<hbm>>
      %dma_wait3A_46 = tpu.memref_slice %arg2[%mul3A_2] : memref<76800xi32, #tpu.memory_space<hbm>> -> memref<2400xi32, #tpu.memory_space<hbm>>
      tpu.wait_dma2 semaphore(%run_scoped3A : memref<!tpu.dma_semaphore, #tpu.memory_space<semaphore_mem>>) src(%dma_wait3A_46 : memref<2400xi32, #tpu.memory_space<hbm>>) dst(%arg7 : memref<2400xi32, #tpu.memory_space<vmem>>)
      tpu.yield
    }) : () -> ()
    "tpu.region"() ({
      %run_scoped3A = tpu.sem_alloc : memref<!tpu.dma_semaphore, #tpu.memory_space<semaphore_mem>>
      %dma_start3A_43 = tpu.memref_slice %arg3[%mul3A_2] : memref<76800xi32, #tpu.memory_space<hbm>> -> memref<2400xi32, #tpu.memory_space<hbm>>
      %dma_start3A_44 = tpu.memref_slice %arg3[%mul3A_2] : memref<76800xi32, #tpu.memory_space<hbm>> -> memref<2400xi32, #tpu.memory_space<hbm>>
      tpu.enqueue_dma source(%dma_start3A_44 : memref<2400xi32, #tpu.memory_space<hbm>>) target(%arg8 : memref<2400xi32, #tpu.memory_space<vmem>>) target_semaphore(%run_scoped3A : memref<!tpu.dma_semaphore, #tpu.memory_space<semaphore_mem>>)
      %dma_wait3A_45 = tpu.memref_slice %arg3[%mul3A_2] : memref<76800xi32, #tpu.memory_space<hbm>> -> memref<2400xi32, #tpu.memory_space<hbm>>
      %dma_wait3A_46 = tpu.memref_slice %arg3[%mul3A_2] : memref<76800xi32, #tpu.memory_space<hbm>> -> memref<2400xi32, #tpu.memory_space<hbm>>
      tpu.wait_dma2 semaphore(%run_scoped3A : memref<!tpu.dma_semaphore, #tpu.memory_space<semaphore_mem>>) src(%dma_wait3A_46 : memref<2400xi32, #tpu.memory_space<hbm>>) dst(%arg8 : memref<2400xi32, #tpu.memory_space<vmem>>)
      tpu.yield
    }) : () -> ()
    %mul3A_9 = arith.constant 56 : i32
    %mul3A_10 = arith.muli %add3A, %mul3A_9 : i32
    %scan3A = arith.constant 0 : i32
    %scan3A_11 = arith.constant 0 : i32
    %scan3A_12 = arith.constant 150 : i32
    %scan3A_13 = arith.addi %scan3A_11, %scan3A_12 : i32
    %scan3A_14 = arith.constant 1 : i32
    scf.for %scan3A_43 = %scan3A_11 to %scan3A_13 step %scan3A_14  : i32 {
      %mul3A_44 = arith.constant 16 : i32
      %mul3A_45 = arith.muli %scan3A_43, %mul3A_44 : i32
      %multiple_of3A_46 = tpu.assume_multiple %mul3A_45, 16 : i32
      %get3A = arith.index_cast %multiple_of3A_46 : i32 to index
      %get3A_47 = tpu.vector_load %arg8[%get3A] {strides = array<i32>} : memref<2400xi32, #tpu.memory_space<vmem>>, vector<16xi32>,
      %get3A_48 = vector.shape_cast %get3A_47 : vector<16xi32> to vector<16xi32>
      %add3A_49 = vector.broadcast %mul3A_10 : i32 to vector<16xi32>
      %add3A_50 = arith.addi %get3A_48, %add3A_49 : vector<16xi32>
      %swap3A = arith.index_cast %multiple_of3A_46 : i32 to index
      %swap3A_51 = tpu.vector_load %arg8[%swap3A] {strides = array<i32>} : memref<2400xi32, #tpu.memory_space<vmem>>, vector<16xi32>,
      %swap3A_52 = vector.shape_cast %swap3A_51 : vector<16xi32> to vector<16xi32>
      %swap3A_53 = vector.shape_cast %add3A_50 : vector<16xi32> to vector<16xi32>
      tpu.vector_store %arg8[%swap3A], %swap3A_53 {strides = array<i32>} : memref<2400xi32, #tpu.memory_space<vmem>>, vector<16xi32>,
    }
    %scan3A_15 = arith.constant 150 : i32
    %multiple_of3A = arith.constant 0 : i32
    %multiple_of3A_16 = tpu.assume_multiple %multiple_of3A, 48 : i32
    %dma_start3A = tpu.memref_slice %arg7[%multiple_of3A_16] : memref<2400xi32, #tpu.memory_space<vmem>> -> memref<48xi32, #tpu.memory_space<vmem>>
    %dma_start3A_17 = arith.constant 0 : i32
    %dma_start3A_18 = arith.constant 0 : i32
    %dma_start3A_19 = tpu.memref_slice %arg4[%dma_start3A_17, %dma_start3A_18] : memref<60697x512xf32, #tpu.memory_space<hbm>> -> memref<60697x512xf32, #tpu.memory_space<hbm>>
    tpu.enqueue_indirect_dma source(%dma_start3A_19 : memref<60697x512xf32, #tpu.memory_space<hbm>>) target(%arg9 : memref<48x512xf32, #tpu.memory_space<vmem>>) offsets(%dma_start3A : memref<48xi32, #tpu.memory_space<vmem>>) semaphore(%arg14 : memref<!tpu.dma_semaphore, #tpu.memory_space<semaphore_mem>>)
    %dma_start3A_20 = tpu.memref_slice %arg8[%multiple_of3A_16] : memref<2400xi32, #tpu.memory_space<vmem>> -> memref<48xi32, #tpu.memory_space<vmem>>
    %dma_start3A_21 = arith.constant 0 : i32
    %dma_start3A_22 = arith.constant 0 : i32
    %dma_start3A_23 = tpu.memref_slice %arg13[%dma_start3A_21, %dma_start3A_22] : memref<1792x512xf32, #tpu.memory_space<hbm>> -> memref<1792x512xf32, #tpu.memory_space<hbm>>
    tpu.enqueue_indirect_dma source(%dma_start3A_23 : memref<1792x512xf32, #tpu.memory_space<hbm>>) target(%arg10 : memref<48x512xf32, #tpu.memory_space<vmem>>) offsets(%dma_start3A_20 : memref<48xi32, #tpu.memory_space<vmem>>) semaphore(%arg15 : memref<!tpu.dma_semaphore, #tpu.memory_space<semaphore_mem>>)
    %scan3A_24 = arith.constant 0 : i32
    %scan3A_25 = arith.constant 0 : i32
    %scan3A_26 = arith.constant 25 : i32
    %scan3A_27 = arith.addi %scan3A_25, %scan3A_26 : i32
    %scan3A_28 = arith.constant 1 : i32
    scf.for %scan3A_43 = %scan3A_25 to %scan3A_27 step %scan3A_28  : i32 {
      %mul3A_44 = arith.constant 2 : i32
      %mul3A_45 = arith.muli %mul3A_44, %scan3A_43 : i32
      %add3A_46 = arith.constant 1 : i32
      %add3A_47 = arith.addi %mul3A_45, %add3A_46 : i32
      %gt3A = arith.constant 0 : i32
      %gt3A_48 = arith.cmpi sgt, %scan3A_43, %gt3A : i32
      %convert_element_type3A = arith.extui %gt3A_48 : i1 to i32
      %cond3A = arith.constant 0 : i32
      %cond3A_49 = arith.cmpi ne, %convert_element_type3A, %cond3A : i32
      scf.if %cond3A_49 {
        %sub3A = arith.constant 2 : i32
        %sub3A_115 = arith.subi %add3A_47, %sub3A : i32
        %mul3A_116 = arith.constant 48 : i32
        %mul3A_117 = arith.muli %sub3A_115, %mul3A_116 : i32
        %add3A_118 = arith.addi %mul3A_2, %mul3A_117 : i32
        %multiple_of3A_119 = tpu.assume_multiple %add3A_118, 48 : i32
        %dma_wait3A_120 = arith.constant 0 : i32
        %dma_wait3A_121 = tpu.memref_slice %arg6[%multiple_of3A_119, %dma_wait3A_120] : memref<76800x512xf32, #tpu.memory_space<hbm>> -> memref<48x512xf32, #tpu.memory_space<hbm>>
        %dma_wait3A_122 = arith.constant 0 : i32
        %dma_wait3A_123 = tpu.memref_slice %arg6[%multiple_of3A_119, %dma_wait3A_122] : memref<76800x512xf32, #tpu.memory_space<hbm>> -> memref<48x512xf32, #tpu.memory_space<hbm>>
        tpu.wait_dma2 semaphore(%arg19 : memref<!tpu.dma_semaphore, #tpu.memory_space<semaphore_mem>>) src(%arg11 : memref<48x512xf32, #tpu.memory_space<vmem>>) dst(%dma_wait3A_123 : memref<48x512xf32, #tpu.memory_space<hbm>>)
      } else {
      }
      %mul3A_50 = arith.constant 48 : i32
      %mul3A_51 = arith.muli %add3A_47, %mul3A_50 : i32
      %multiple_of3A_52 = tpu.assume_multiple %mul3A_51, 48 : i32
      %dma_start3A_53 = tpu.memref_slice %arg7[%multiple_of3A_52] : memref<2400xi32, #tpu.memory_space<vmem>> -> memref<48xi32, #tpu.memory_space<vmem>>
      %dma_start3A_54 = arith.constant 0 : i32
      %dma_start3A_55 = arith.constant 0 : i32
      %dma_start3A_56 = tpu.memref_slice %arg4[%dma_start3A_54, %dma_start3A_55] : memref<60697x512xf32, #tpu.memory_space<hbm>> -> memref<60697x512xf32, #tpu.memory_space<hbm>>
      tpu.enqueue_indirect_dma source(%dma_start3A_56 : memref<60697x512xf32, #tpu.memory_space<hbm>>) target(%arg11 : memref<48x512xf32, #tpu.memory_space<vmem>>) offsets(%dma_start3A_53 : memref<48xi32, #tpu.memory_space<vmem>>) semaphore(%arg16 : memref<!tpu.dma_semaphore, #tpu.memory_space<semaphore_mem>>)
      %dma_start3A_57 = tpu.memref_slice %arg8[%multiple_of3A_52] : memref<2400xi32, #tpu.memory_space<vmem>> -> memref<48xi32, #tpu.memory_space<vmem>>
      %dma_start3A_58 = arith.constant 0 : i32
      %dma_start3A_59 = arith.constant 0 : i32
      %dma_start3A_60 = tpu.memref_slice %arg13[%dma_start3A_58, %dma_start3A_59] : memref<1792x512xf32, #tpu.memory_space<hbm>> -> memref<1792x512xf32, #tpu.memory_space<hbm>>
      tpu.enqueue_indirect_dma source(%dma_start3A_60 : memref<1792x512xf32, #tpu.memory_space<hbm>>) target(%arg12 : memref<48x512xf32, #tpu.memory_space<vmem>>) offsets(%dma_start3A_57 : memref<48xi32, #tpu.memory_space<vmem>>) semaphore(%arg17 : memref<!tpu.dma_semaphore, #tpu.memory_space<semaphore_mem>>)
      %mul3A_61 = arith.constant 48 : i32
      %mul3A_62 = arith.muli %mul3A_45, %mul3A_61 : i32
      %multiple_of3A_63 = tpu.assume_multiple %mul3A_62, 48 : i32
      %dma_wait3A_64 = tpu.memref_slice %arg7[%multiple_of3A_63] : memref<2400xi32, #tpu.memory_space<vmem>> -> memref<48xi32, #tpu.memory_space<vmem>>
      %dma_wait3A_65 = arith.constant 0 : i32
      %dma_wait3A_66 = arith.constant 0 : i32
      %dma_wait3A_67 = tpu.memref_slice %arg4[%dma_wait3A_65, %dma_wait3A_66] : memref<60697x512xf32, #tpu.memory_space<hbm>> -> memref<60697x512xf32, #tpu.memory_space<hbm>>
      tpu.wait_indirect_dma semaphore(%arg14 : memref<!tpu.dma_semaphore, #tpu.memory_space<semaphore_mem>>) src(%dma_wait3A_67 : memref<60697x512xf32, #tpu.memory_space<hbm>>) dst(%arg9 : memref<48x512xf32, #tpu.memory_space<vmem>>)
      %dma_wait3A_68 = tpu.memref_slice %arg8[%multiple_of3A_63] : memref<2400xi32, #tpu.memory_space<vmem>> -> memref<48xi32, #tpu.memory_space<vmem>>
      %dma_wait3A_69 = arith.constant 0 : i32
      %dma_wait3A_70 = arith.constant 0 : i32
      %dma_wait3A_71 = tpu.memref_slice %arg13[%dma_wait3A_69, %dma_wait3A_70] : memref<1792x512xf32, #tpu.memory_space<hbm>> -> memref<1792x512xf32, #tpu.memory_space<hbm>>
      tpu.wait_indirect_dma semaphore(%arg15 : memref<!tpu.dma_semaphore, #tpu.memory_space<semaphore_mem>>) src(%dma_wait3A_71 : memref<1792x512xf32, #tpu.memory_space<hbm>>) dst(%arg10 : memref<48x512xf32, #tpu.memory_space<vmem>>)
      %scan3A_72 = arith.constant 0 : i32
      %scan3A_73 = arith.constant 0 : i32
      %scan3A_74 = arith.constant 48 : i32
      %scan3A_75 = arith.addi %scan3A_73, %scan3A_74 : i32
      %scan3A_76 = arith.constant 1 : i32
      scf.for %scan3A_115 = %scan3A_73 to %scan3A_75 step %scan3A_76  : i32 {
        %get3A = arith.index_cast %scan3A_115 : i32 to index
        %get3A_116 = arith.constant 0 : index
        %get3A_117 = tpu.vector_load %arg9[%get3A, %get3A_116] {strides = array<i32>} : memref<48x512xf32, #tpu.memory_space<vmem>>, vector<1x16xf32>,
        %get3A_118 = vector.shape_cast %get3A_117 : vector<1x16xf32> to vector<16xf32>
        %get3A_119 = arith.index_cast %scan3A_115 : i32 to index
        %get3A_120 = arith.constant 0 : index
        %get3A_121 = tpu.vector_load %arg10[%get3A_119, %get3A_120] {strides = array<i32>} : memref<48x512xf32, #tpu.memory_space<vmem>>, vector<1x16xf32>,
        %get3A_122 = vector.shape_cast %get3A_121 : vector<1x16xf32> to vector<16xf32>
        %add3A_123 = arith.addf %get3A_118, %get3A_122 : vector<16xf32>
        %swap3A = arith.index_cast %scan3A_115 : i32 to index
        %swap3A_124 = arith.constant 0 : index
        %swap3A_125 = tpu.vector_load %arg9[%swap3A, %swap3A_124] {strides = array<i32>} : memref<48x512xf32, #tpu.memory_space<vmem>>, vector<1x16xf32>,
        %swap3A_126 = vector.shape_cast %swap3A_125 : vector<1x16xf32> to vector<16xf32>
        %swap3A_127 = vector.shape_cast %add3A_123 : vector<16xf32> to vector<1x16xf32>
        tpu.vector_store %arg9[%swap3A, %swap3A_124], %swap3A_127 {strides = array<i32>} : memref<48x512xf32, #tpu.memory_space<vmem>>, vector<1x16xf32>,
        %get3A_128 = arith.index_cast %scan3A_115 : i32 to index
        %get3A_129 = arith.constant 16 : index
        %get3A_130 = tpu.vector_load %arg9[%get3A_128, %get3A_129] {strides = array<i32>} : memref<48x512xf32, #tpu.memory_space<vmem>>, vector<1x16xf32>,
        %get3A_131 = vector.shape_cast %get3A_130 : vector<1x16xf32> to vector<16xf32>
        %get3A_132 = arith.index_cast %scan3A_115 : i32 to index
        %get3A_133 = arith.constant 16 : index
        %get3A_134 = tpu.vector_load %arg10[%get3A_132, %get3A_133] {strides = array<i32>} : memref<48x512xf32, #tpu.memory_space<vmem>>, vector<1x16xf32>,
        %get3A_135 = vector.shape_cast %get3A_134 : vector<1x16xf32> to vector<16xf32>
        %add3A_136 = arith.addf %get3A_131, %get3A_135 : vector<16xf32>
        %swap3A_137 = arith.index_cast %scan3A_115 : i32 to index
        %swap3A_138 = arith.constant 16 : index
        %swap3A_139 = tpu.vector_load %arg9[%swap3A_137, %swap3A_138] {strides = array<i32>} : memref<48x512xf32, #tpu.memory_space<vmem>>, vector<1x16xf32>,
        %swap3A_140 = vector.shape_cast %swap3A_139 : vector<1x16xf32> to vector<16xf32>
        %swap3A_141 = vector.shape_cast %add3A_136 : vector<16xf32> to vector<1x16xf32>
        tpu.vector_store %arg9[%swap3A_137, %swap3A_138], %swap3A_141 {strides = array<i32>} : memref<48x512xf32, #tpu.memory_space<vmem>>, vector<1x16xf32>,
        %get3A_142 = arith.index_cast %scan3A_115 : i32 to index
        %get3A_143 = arith.constant 32 : index
        %get3A_144 = tpu.vector_load %arg9[%get3A_142, %get3A_143] {strides = array<i32>} : memref<48x512xf32, #tpu.memory_space<vmem>>, vector<1x16xf32>,
        %get3A_145 = vector.shape_cast %get3A_144 : vector<1x16xf32> to vector<16xf32>
        %get3A_146 = arith.index_cast %scan3A_115 : i32 to index
        %get3A_147 = arith.constant 32 : index
        %get3A_148 = tpu.vector_load %arg10[%get3A_146, %get3A_147] {strides = array<i32>} : memref<48x512xf32, #tpu.memory_space<vmem>>, vector<1x16xf32>,
        %get3A_149 = vector.shape_cast %get3A_148 : vector<1x16xf32> to vector<16xf32>
        %add3A_150 = arith.addf %get3A_145, %get3A_149 : vector<16xf32>
        %swap3A_151 = arith.index_cast %scan3A_115 : i32 to index
        %swap3A_152 = arith.constant 32 : index
        %swap3A_153 = tpu.vector_load %arg9[%swap3A_151, %swap3A_152] {strides = array<i32>} : memref<48x512xf32, #tpu.memory_space<vmem>>, vector<1x16xf32>,
        %swap3A_154 = vector.shape_cast %swap3A_153 : vector<1x16xf32> to vector<16xf32>
        %swap3A_155 = vector.shape_cast %add3A_150 : vector<16xf32> to vector<1x16xf32>
        tpu.vector_store %arg9[%swap3A_151, %swap3A_152], %swap3A_155 {strides = array<i32>} : memref<48x512xf32, #tpu.memory_space<vmem>>, vector<1x16xf32>,
        %get3A_156 = arith.index_cast %scan3A_115 : i32 to index
        %get3A_157 = arith.constant 48 : index
        %get3A_158 = tpu.vector_load %arg9[%get3A_156, %get3A_157] {strides = array<i32>} : memref<48x512xf32, #tpu.memory_space<vmem>>, vector<1x16xf32>,
        %get3A_159 = vector.shape_cast %get3A_158 : vector<1x16xf32> to vector<16xf32>
        %get3A_160 = arith.index_cast %scan3A_115 : i32 to index
        %get3A_161 = arith.constant 48 : index
        %get3A_162 = tpu.vector_load %arg10[%get3A_160, %get3A_161] {strides = array<i32>} : memref<48x512xf32, #tpu.memory_space<vmem>>, vector<1x16xf32>,
        %get3A_163 = vector.shape_cast %get3A_162 : vector<1x16xf32> to vector<16xf32>
        %add3A_164 = arith.addf %get3A_159, %get3A_163 : vector<16xf32>
        %swap3A_165 = arith.index_cast %scan3A_115 : i32 to index
        %swap3A_166 = arith.constant 48 : index
        %swap3A_167 = tpu.vector_load %arg9[%swap3A_165, %swap3A_166] {strides = array<i32>} : memref<48x512xf32, #tpu.memory_space<vmem>>, vector<1x16xf32>,
        %swap3A_168 = vector.shape_cast %swap3A_167 : vector<1x16xf32> to vector<16xf32>
        %swap3A_169 = vector.shape_cast %add3A_164 : vector<16xf32> to vector<1x16xf32>
        tpu.vector_store %arg9[%swap3A_165, %swap3A_166], %swap3A_169 {strides = array<i32>} : memref<48x512xf32, #tpu.memory_space<vmem>>, vector<1x16xf32>,
        %get3A_170 = arith.index_cast %scan3A_115 : i32 to index
        %get3A_171 = arith.constant 64 : index
        %get3A_172 = tpu.vector_load %arg9[%get3A_170, %get3A_171] {strides = array<i32>} : memref<48x512xf32, #tpu.memory_space<vmem>>, vector<1x16xf32>,
        %get3A_173 = vector.shape_cast %get3A_172 : vector<1x16xf32> to vector<16xf32>
        %get3A_174 = arith.index_cast %scan3A_115 : i32 to index
        %get3A_175 = arith.constant 64 : index
        %get3A_176 = tpu.vector_load %arg10[%get3A_174, %get3A_175] {strides = array<i32>} : memref<48x512xf32, #tpu.memory_space<vmem>>, vector<1x16xf32>,
        %get3A_177 = vector.shape_cast %get3A_176 : vector<1x16xf32> to vector<16xf32>
        %add3A_178 = arith.addf %get3A_173, %get3A_177 : vector<16xf32>
        %swap3A_179 = arith.index_cast %scan3A_115 : i32 to index
        %swap3A_180 = arith.constant 64 : index
        %swap3A_181 = tpu.vector_load %arg9[%swap3A_179, %swap3A_180] {strides = array<i32>} : memref<48x512xf32, #tpu.memory_space<vmem>>, vector<1x16xf32>,
        %swap3A_182 = vector.shape_cast %swap3A_181 : vector<1x16xf32> to vector<16xf32>
        %swap3A_183 = vector.shape_cast %add3A_178 : vector<16xf32> to vector<1x16xf32>
        tpu.vector_store %arg9[%swap3A_179, %swap3A_180], %swap3A_183 {strides = array<i32>} : memref<48x512xf32, #tpu.memory_space<vmem>>, vector<1x16xf32>,
        %get3A_184 = arith.index_cast %scan3A_115 : i32 to index
        %get3A_185 = arith.constant 80 : index
        %get3A_186 = tpu.vector_load %arg9[%get3A_184, %get3A_185] {strides = array<i32>} : memref<48x512xf32, #tpu.memory_space<vmem>>, vector<1x16xf32>,
        %get3A_187 = vector.shape_cast %get3A_186 : vector<1x16xf32> to vector<16xf32>
        %get3A_188 = arith.index_cast %scan3A_115 : i32 to index
        %get3A_189 = arith.constant 80 : index
        %get3A_190 = tpu.vector_load %arg10[%get3A_188, %get3A_189] {strides = array<i32>} : memref<48x512xf32, #tpu.memory_space<vmem>>, vector<1x16xf32>,
        %get3A_191 = vector.shape_cast %get3A_190 : vector<1x16xf32> to vector<16xf32>
        %add3A_192 = arith.addf %get3A_187, %get3A_191 : vector<16xf32>
        %swap3A_193 = arith.index_cast %scan3A_115 : i32 to index
        %swap3A_194 = arith.constant 80 : index
        %swap3A_195 = tpu.vector_load %arg9[%swap3A_193, %swap3A_194] {strides = array<i32>} : memref<48x512xf32, #tpu.memory_space<vmem>>, vector<1x16xf32>,
        %swap3A_196 = vector.shape_cast %swap3A_195 : vector<1x16xf32> to vector<16xf32>
        %swap3A_197 = vector.shape_cast %add3A_192 : vector<16xf32> to vector<1x16xf32>
        tpu.vector_store %arg9[%swap3A_193, %swap3A_194], %swap3A_197 {strides = array<i32>} : memref<48x512xf32, #tpu.memory_space<vmem>>, vector<1x16xf32>,
        %get3A_198 = arith.index_cast %scan3A_115 : i32 to index
        %get3A_199 = arith.constant 96 : index
        %get3A_200 = tpu.vector_load %arg9[%get3A_198, %get3A_199] {strides = array<i32>} : memref<48x512xf32, #tpu.memory_space<vmem>>, vector<1x16xf32>,
        %get3A_201 = vector.shape_cast %get3A_200 : vector<1x16xf32> to vector<16xf32>
        %get3A_202 = arith.index_cast %scan3A_115 : i32 to index
        %get3A_203 = arith.constant 96 : index
        %get3A_204 = tpu.vector_load %arg10[%get3A_202, %get3A_203] {strides = array<i32>} : memref<48x512xf32, #tpu.memory_space<vmem>>, vector<1x16xf32>,
        %get3A_205 = vector.shape_cast %get3A_204 : vector<1x16xf32> to vector<16xf32>
        %add3A_206 = arith.addf %get3A_201, %get3A_205 : vector<16xf32>
        %swap3A_207 = arith.index_cast %scan3A_115 : i32 to index
        %swap3A_208 = arith.constant 96 : index
        %swap3A_209 = tpu.vector_load %arg9[%swap3A_207, %swap3A_208] {strides = array<i32>} : memref<48x512xf32, #tpu.memory_space<vmem>>, vector<1x16xf32>,
        %swap3A_210 = vector.shape_cast %swap3A_209 : vector<1x16xf32> to vector<16xf32>
        %swap3A_211 = vector.shape_cast %add3A_206 : vector<16xf32> to vector<1x16xf32>
        tpu.vector_store %arg9[%swap3A_207, %swap3A_208], %swap3A_211 {strides = array<i32>} : memref<48x512xf32, #tpu.memory_space<vmem>>, vector<1x16xf32>,
        %get3A_212 = arith.index_cast %scan3A_115 : i32 to index
        %get3A_213 = arith.constant 112 : index
        %get3A_214 = tpu.vector_load %arg9[%get3A_212, %get3A_213] {strides = array<i32>} : memref<48x512xf32, #tpu.memory_space<vmem>>, vector<1x16xf32>,
        %get3A_215 = vector.shape_cast %get3A_214 : vector<1x16xf32> to vector<16xf32>
        %get3A_216 = arith.index_cast %scan3A_115 : i32 to index
        %get3A_217 = arith.constant 112 : index
        %get3A_218 = tpu.vector_load %arg10[%get3A_216, %get3A_217] {strides = array<i32>} : memref<48x512xf32, #tpu.memory_space<vmem>>, vector<1x16xf32>,
        %get3A_219 = vector.shape_cast %get3A_218 : vector<1x16xf32> to vector<16xf32>
        %add3A_220 = arith.addf %get3A_215, %get3A_219 : vector<16xf32>
        %swap3A_221 = arith.index_cast %scan3A_115 : i32 to index
        %swap3A_222 = arith.constant 112 : index
        %swap3A_223 = tpu.vector_load %arg9[%swap3A_221, %swap3A_222] {strides = array<i32>} : memref<48x512xf32, #tpu.memory_space<vmem>>, vector<1x16xf32>,
        %swap3A_224 = vector.shape_cast %swap3A_223 : vector<1x16xf32> to vector<16xf32>
        %swap3A_225 = vector.shape_cast %add3A_220 : vector<16xf32> to vector<1x16xf32>
        tpu.vector_store %arg9[%swap3A_221, %swap3A_222], %swap3A_225 {strides = array<i32>} : memref<48x512xf32, #tpu.memory_space<vmem>>, vector<1x16xf32>,
        %get3A_226 = arith.index_cast %scan3A_115 : i32 to index
        %get3A_227 = arith.constant 128 : index
        %get3A_228 = tpu.vector_load %arg9[%get3A_226, %get3A_227] {strides = array<i32>} : memref<48x512xf32, #tpu.memory_space<vmem>>, vector<1x16xf32>,
        %get3A_229 = vector.shape_cast %get3A_228 : vector<1x16xf32> to vector<16xf32>
        %get3A_230 = arith.index_cast %scan3A_115 : i32 to index
        %get3A_231 = arith.constant 128 : index
        %get3A_232 = tpu.vector_load %arg10[%get3A_230, %get3A_231] {strides = array<i32>} : memref<48x512xf32, #tpu.memory_space<vmem>>, vector<1x16xf32>,
        %get3A_233 = vector.shape_cast %get3A_232 : vector<1x16xf32> to vector<16xf32>
        %add3A_234 = arith.addf %get3A_229, %get3A_233 : vector<16xf32>
        %swap3A_235 = arith.index_cast %scan3A_115 : i32 to index
        %swap3A_236 = arith.constant 128 : index
        %swap3A_237 = tpu.vector_load %arg9[%swap3A_235, %swap3A_236] {strides = array<i32>} : memref<48x512xf32, #tpu.memory_space<vmem>>, vector<1x16xf32>,
        %swap3A_238 = vector.shape_cast %swap3A_237 : vector<1x16xf32> to vector<16xf32>
        %swap3A_239 = vector.shape_cast %add3A_234 : vector<16xf32> to vector<1x16xf32>
        tpu.vector_store %arg9[%swap3A_235, %swap3A_236], %swap3A_239 {strides = array<i32>} : memref<48x512xf32, #tpu.memory_space<vmem>>, vector<1x16xf32>,
        %get3A_240 = arith.index_cast %scan3A_115 : i32 to index
        %get3A_241 = arith.constant 144 : index
        %get3A_242 = tpu.vector_load %arg9[%get3A_240, %get3A_241] {strides = array<i32>} : memref<48x512xf32, #tpu.memory_space<vmem>>, vector<1x16xf32>,
        %get3A_243 = vector.shape_cast %get3A_242 : vector<1x16xf32> to vector<16xf32>
        %get3A_244 = arith.index_cast %scan3A_115 : i32 to index
        %get3A_245 = arith.constant 144 : index
        %get3A_246 = tpu.vector_load %arg10[%get3A_244, %get3A_245] {strides = array<i32>} : memref<48x512xf32, #tpu.memory_space<vmem>>, vector<1x16xf32>,
        %get3A_247 = vector.shape_cast %get3A_246 : vector<1x16xf32> to vector<16xf32>
        %add3A_248 = arith.addf %get3A_243, %get3A_247 : vector<16xf32>
        %swap3A_249 = arith.index_cast %scan3A_115 : i32 to index
        %swap3A_250 = arith.constant 144 : index
        %swap3A_251 = tpu.vector_load %arg9[%swap3A_249, %swap3A_250] {strides = array<i32>} : memref<48x512xf32, #tpu.memory_space<vmem>>, vector<1x16xf32>,
        %swap3A_252 = vector.shape_cast %swap3A_251 : vector<1x16xf32> to vector<16xf32>
        %swap3A_253 = vector.shape_cast %add3A_248 : vector<16xf32> to vector<1x16xf32>
        tpu.vector_store %arg9[%swap3A_249, %swap3A_250], %swap3A_253 {strides = array<i32>} : memref<48x512xf32, #tpu.memory_space<vmem>>, vector<1x16xf32>,
        %get3A_254 = arith.index_cast %scan3A_115 : i32 to index
        %get3A_255 = arith.constant 160 : index
        %get3A_256 = tpu.vector_load %arg9[%get3A_254, %get3A_255] {strides = array<i32>} : memref<48x512xf32, #tpu.memory_space<vmem>>, vector<1x16xf32>,
        %get3A_257 = vector.shape_cast %get3A_256 : vector<1x16xf32> to vector<16xf32>
        %get3A_258 = arith.index_cast %scan3A_115 : i32 to index
        %get3A_259 = arith.constant 160 : index
        %get3A_260 = tpu.vector_load %arg10[%get3A_258, %get3A_259] {strides = array<i32>} : memref<48x512xf32, #tpu.memory_space<vmem>>, vector<1x16xf32>,
        %get3A_261 = vector.shape_cast %get3A_260 : vector<1x16xf32> to vector<16xf32>
        %add3A_262 = arith.addf %get3A_257, %get3A_261 : vector<16xf32>
        %swap3A_263 = arith.index_cast %scan3A_115 : i32 to index
        %swap3A_264 = arith.constant 160 : index
        %swap3A_265 = tpu.vector_load %arg9[%swap3A_263, %swap3A_264] {strides = array<i32>} : memref<48x512xf32, #tpu.memory_space<vmem>>, vector<1x16xf32>,
        %swap3A_266 = vector.shape_cast %swap3A_265 : vector<1x16xf32> to vector<16xf32>
        %swap3A_267 = vector.shape_cast %add3A_262 : vector<16xf32> to vector<1x16xf32>
        tpu.vector_store %arg9[%swap3A_263, %swap3A_264], %swap3A_267 {strides = array<i32>} : memref<48x512xf32, #tpu.memory_space<vmem>>, vector<1x16xf32>,
        %get3A_268 = arith.index_cast %scan3A_115 : i32 to index
        %get3A_269 = arith.constant 176 : index
        %get3A_270 = tpu.vector_load %arg9[%get3A_268, %get3A_269] {strides = array<i32>} : memref<48x512xf32, #tpu.memory_space<vmem>>, vector<1x16xf32>,
        %get3A_271 = vector.shape_cast %get3A_270 : vector<1x16xf32> to vector<16xf32>
        %get3A_272 = arith.index_cast %scan3A_115 : i32 to index
        %get3A_273 = arith.constant 176 : index
        %get3A_274 = tpu.vector_load %arg10[%get3A_272, %get3A_273] {strides = array<i32>} : memref<48x512xf32, #tpu.memory_space<vmem>>, vector<1x16xf32>,
        %get3A_275 = vector.shape_cast %get3A_274 : vector<1x16xf32> to vector<16xf32>
        %add3A_276 = arith.addf %get3A_271, %get3A_275 : vector<16xf32>
        %swap3A_277 = arith.index_cast %scan3A_115 : i32 to index
        %swap3A_278 = arith.constant 176 : index
        %swap3A_279 = tpu.vector_load %arg9[%swap3A_277, %swap3A_278] {strides = array<i32>} : memref<48x512xf32, #tpu.memory_space<vmem>>, vector<1x16xf32>,
        %swap3A_280 = vector.shape_cast %swap3A_279 : vector<1x16xf32> to vector<16xf32>
        %swap3A_281 = vector.shape_cast %add3A_276 : vector<16xf32> to vector<1x16xf32>
        tpu.vector_store %arg9[%swap3A_277, %swap3A_278], %swap3A_281 {strides = array<i32>} : memref<48x512xf32, #tpu.memory_space<vmem>>, vector<1x16xf32>,
        %get3A_282 = arith.index_cast %scan3A_115 : i32 to index
        %get3A_283 = arith.constant 192 : index
        %get3A_284 = tpu.vector_load %arg9[%get3A_282, %get3A_283] {strides = array<i32>} : memref<48x512xf32, #tpu.memory_space<vmem>>, vector<1x16xf32>,
        %get3A_285 = vector.shape_cast %get3A_284 : vector<1x16xf32> to vector<16xf32>
        %get3A_286 = arith.index_cast %scan3A_115 : i32 to index
        %get3A_287 = arith.constant 192 : index
        %get3A_288 = tpu.vector_load %arg10[%get3A_286, %get3A_287] {strides = array<i32>} : memref<48x512xf32, #tpu.memory_space<vmem>>, vector<1x16xf32>,
        %get3A_289 = vector.shape_cast %get3A_288 : vector<1x16xf32> to vector<16xf32>
        %add3A_290 = arith.addf %get3A_285, %get3A_289 : vector<16xf32>
        %swap3A_291 = arith.index_cast %scan3A_115 : i32 to index
        %swap3A_292 = arith.constant 192 : index
        %swap3A_293 = tpu.vector_load %arg9[%swap3A_291, %swap3A_292] {strides = array<i32>} : memref<48x512xf32, #tpu.memory_space<vmem>>, vector<1x16xf32>,
        %swap3A_294 = vector.shape_cast %swap3A_293 : vector<1x16xf32> to vector<16xf32>
        %swap3A_295 = vector.shape_cast %add3A_290 : vector<16xf32> to vector<1x16xf32>
        tpu.vector_store %arg9[%swap3A_291, %swap3A_292], %swap3A_295 {strides = array<i32>} : memref<48x512xf32, #tpu.memory_space<vmem>>, vector<1x16xf32>,
        %get3A_296 = arith.index_cast %scan3A_115 : i32 to index
        %get3A_297 = arith.constant 208 : index
        %get3A_298 = tpu.vector_load %arg9[%get3A_296, %get3A_297] {strides = array<i32>} : memref<48x512xf32, #tpu.memory_space<vmem>>, vector<1x16xf32>,
        %get3A_299 = vector.shape_cast %get3A_298 : vector<1x16xf32> to vector<16xf32>
        %get3A_300 = arith.index_cast %scan3A_115 : i32 to index
        %get3A_301 = arith.constant 208 : index
        %get3A_302 = tpu.vector_load %arg10[%get3A_300, %get3A_301] {strides = array<i32>} : memref<48x512xf32, #tpu.memory_space<vmem>>, vector<1x16xf32>,
        %get3A_303 = vector.shape_cast %get3A_302 : vector<1x16xf32> to vector<16xf32>
        %add3A_304 = arith.addf %get3A_299, %get3A_303 : vector<16xf32>
        %swap3A_305 = arith.index_cast %scan3A_115 : i32 to index
        %swap3A_306 = arith.constant 208 : index
        %swap3A_307 = tpu.vector_load %arg9[%swap3A_305, %swap3A_306] {strides = array<i32>} : memref<48x512xf32, #tpu.memory_space<vmem>>, vector<1x16xf32>,
        %swap3A_308 = vector.shape_cast %swap3A_307 : vector<1x16xf32> to vector<16xf32>
        %swap3A_309 = vector.shape_cast %add3A_304 : vector<16xf32> to vector<1x16xf32>
        tpu.vector_store %arg9[%swap3A_305, %swap3A_306], %swap3A_309 {strides = array<i32>} : memref<48x512xf32, #tpu.memory_space<vmem>>, vector<1x16xf32>,
        %get3A_310 = arith.index_cast %scan3A_115 : i32 to index
        %get3A_311 = arith.constant 224 : index
        %get3A_312 = tpu.vector_load %arg9[%get3A_310, %get3A_311] {strides = array<i32>} : memref<48x512xf32, #tpu.memory_space<vmem>>, vector<1x16xf32>,
        %get3A_313 = vector.shape_cast %get3A_312 : vector<1x16xf32> to vector<16xf32>
        %get3A_314 = arith.index_cast %scan3A_115 : i32 to index
        %get3A_315 = arith.constant 224 : index
        %get3A_316 = tpu.vector_load %arg10[%get3A_314, %get3A_315] {strides = array<i32>} : memref<48x512xf32, #tpu.memory_space<vmem>>, vector<1x16xf32>,
        %get3A_317 = vector.shape_cast %get3A_316 : vector<1x16xf32> to vector<16xf32>
        %add3A_318 = arith.addf %get3A_313, %get3A_317 : vector<16xf32>
        %swap3A_319 = arith.index_cast %scan3A_115 : i32 to index
        %swap3A_320 = arith.constant 224 : index
        %swap3A_321 = tpu.vector_load %arg9[%swap3A_319, %swap3A_320] {strides = array<i32>} : memref<48x512xf32, #tpu.memory_space<vmem>>, vector<1x16xf32>,
        %swap3A_322 = vector.shape_cast %swap3A_321 : vector<1x16xf32> to vector<16xf32>
        %swap3A_323 = vector.shape_cast %add3A_318 : vector<16xf32> to vector<1x16xf32>
        tpu.vector_store %arg9[%swap3A_319, %swap3A_320], %swap3A_323 {strides = array<i32>} : memref<48x512xf32, #tpu.memory_space<vmem>>, vector<1x16xf32>,
        %get3A_324 = arith.index_cast %scan3A_115 : i32 to index
        %get3A_325 = arith.constant 240 : index
        %get3A_326 = tpu.vector_load %arg9[%get3A_324, %get3A_325] {strides = array<i32>} : memref<48x512xf32, #tpu.memory_space<vmem>>, vector<1x16xf32>,
        %get3A_327 = vector.shape_cast %get3A_326 : vector<1x16xf32> to vector<16xf32>
        %get3A_328 = arith.index_cast %scan3A_115 : i32 to index
        %get3A_329 = arith.constant 240 : index
        %get3A_330 = tpu.vector_load %arg10[%get3A_328, %get3A_329] {strides = array<i32>} : memref<48x512xf32, #tpu.memory_space<vmem>>, vector<1x16xf32>,
        %get3A_331 = vector.shape_cast %get3A_330 : vector<1x16xf32> to vector<16xf32>
        %add3A_332 = arith.addf %get3A_327, %get3A_331 : vector<16xf32>
        %swap3A_333 = arith.index_cast %scan3A_115 : i32 to index
        %swap3A_334 = arith.constant 240 : index
        %swap3A_335 = tpu.vector_load %arg9[%swap3A_333, %swap3A_334] {strides = array<i32>} : memref<48x512xf32, #tpu.memory_space<vmem>>, vector<1x16xf32>,
        %swap3A_336 = vector.shape_cast %swap3A_335 : vector<1x16xf32> to vector<16xf32>
        %swap3A_337 = vector.shape_cast %add3A_332 : vector<16xf32> to vector<1x16xf32>
        tpu.vector_store %arg9[%swap3A_333, %swap3A_334], %swap3A_337 {strides = array<i32>} : memref<48x512xf32, #tpu.memory_space<vmem>>, vector<1x16xf32>,
        %get3A_338 = arith.index_cast %scan3A_115 : i32 to index
        %get3A_339 = arith.constant 256 : index
        %get3A_340 = tpu.vector_load %arg9[%get3A_338, %get3A_339] {strides = array<i32>} : memref<48x512xf32, #tpu.memory_space<vmem>>, vector<1x16xf32>,
        %get3A_341 = vector.shape_cast %get3A_340 : vector<1x16xf32> to vector<16xf32>
        %get3A_342 = arith.index_cast %scan3A_115 : i32 to index
        %get3A_343 = arith.constant 256 : index
        %get3A_344 = tpu.vector_load %arg10[%get3A_342, %get3A_343] {strides = array<i32>} : memref<48x512xf32, #tpu.memory_space<vmem>>, vector<1x16xf32>,
        %get3A_345 = vector.shape_cast %get3A_344 : vector<1x16xf32> to vector<16xf32>
        %add3A_346 = arith.addf %get3A_341, %get3A_345 : vector<16xf32>
        %swap3A_347 = arith.index_cast %scan3A_115 : i32 to index
        %swap3A_348 = arith.constant 256 : index
        %swap3A_349 = tpu.vector_load %arg9[%swap3A_347, %swap3A_348] {strides = array<i32>} : memref<48x512xf32, #tpu.memory_space<vmem>>, vector<1x16xf32>,
        %swap3A_350 = vector.shape_cast %swap3A_349 : vector<1x16xf32> to vector<16xf32>
        %swap3A_351 = vector.shape_cast %add3A_346 : vector<16xf32> to vector<1x16xf32>
        tpu.vector_store %arg9[%swap3A_347, %swap3A_348], %swap3A_351 {strides = array<i32>} : memref<48x512xf32, #tpu.memory_space<vmem>>, vector<1x16xf32>,
        %get3A_352 = arith.index_cast %scan3A_115 : i32 to index
        %get3A_353 = arith.constant 272 : index
        %get3A_354 = tpu.vector_load %arg9[%get3A_352, %get3A_353] {strides = array<i32>} : memref<48x512xf32, #tpu.memory_space<vmem>>, vector<1x16xf32>,
        %get3A_355 = vector.shape_cast %get3A_354 : vector<1x16xf32> to vector<16xf32>
        %get3A_356 = arith.index_cast %scan3A_115 : i32 to index
        %get3A_357 = arith.constant 272 : index
        %get3A_358 = tpu.vector_load %arg10[%get3A_356, %get3A_357] {strides = array<i32>} : memref<48x512xf32, #tpu.memory_space<vmem>>, vector<1x16xf32>,
        %get3A_359 = vector.shape_cast %get3A_358 : vector<1x16xf32> to vector<16xf32>
        %add3A_360 = arith.addf %get3A_355, %get3A_359 : vector<16xf32>
        %swap3A_361 = arith.index_cast %scan3A_115 : i32 to index
        %swap3A_362 = arith.constant 272 : index
        %swap3A_363 = tpu.vector_load %arg9[%swap3A_361, %swap3A_362] {strides = array<i32>} : memref<48x512xf32, #tpu.memory_space<vmem>>, vector<1x16xf32>,
        %swap3A_364 = vector.shape_cast %swap3A_363 : vector<1x16xf32> to vector<16xf32>
        %swap3A_365 = vector.shape_cast %add3A_360 : vector<16xf32> to vector<1x16xf32>
        tpu.vector_store %arg9[%swap3A_361, %swap3A_362], %swap3A_365 {strides = array<i32>} : memref<48x512xf32, #tpu.memory_space<vmem>>, vector<1x16xf32>,
        %get3A_366 = arith.index_cast %scan3A_115 : i32 to index
        %get3A_367 = arith.constant 288 : index
        %get3A_368 = tpu.vector_load %arg9[%get3A_366, %get3A_367] {strides = array<i32>} : memref<48x512xf32, #tpu.memory_space<vmem>>, vector<1x16xf32>,
        %get3A_369 = vector.shape_cast %get3A_368 : vector<1x16xf32> to vector<16xf32>
        %get3A_370 = arith.index_cast %scan3A_115 : i32 to index
        %get3A_371 = arith.constant 288 : index
        %get3A_372 = tpu.vector_load %arg10[%get3A_370, %get3A_371] {strides = array<i32>} : memref<48x512xf32, #tpu.memory_space<vmem>>, vector<1x16xf32>,
        %get3A_373 = vector.shape_cast %get3A_372 : vector<1x16xf32> to vector<16xf32>
        %add3A_374 = arith.addf %get3A_369, %get3A_373 : vector<16xf32>
        %swap3A_375 = arith.index_cast %scan3A_115 : i32 to index
        %swap3A_376 = arith.constant 288 : index
        %swap3A_377 = tpu.vector_load %arg9[%swap3A_375, %swap3A_376] {strides = array<i32>} : memref<48x512xf32, #tpu.memory_space<vmem>>, vector<1x16xf32>,
        %swap3A_378 = vector.shape_cast %swap3A_377 : vector<1x16xf32> to vector<16xf32>
        %swap3A_379 = vector.shape_cast %add3A_374 : vector<16xf32> to vector<1x16xf32>
        tpu.vector_store %arg9[%swap3A_375, %swap3A_376], %swap3A_379 {strides = array<i32>} : memref<48x512xf32, #tpu.memory_space<vmem>>, vector<1x16xf32>,
        %get3A_380 = arith.index_cast %scan3A_115 : i32 to index
        %get3A_381 = arith.constant 304 : index
        %get3A_382 = tpu.vector_load %arg9[%get3A_380, %get3A_381] {strides = array<i32>} : memref<48x512xf32, #tpu.memory_space<vmem>>, vector<1x16xf32>,
        %get3A_383 = vector.shape_cast %get3A_382 : vector<1x16xf32> to vector<16xf32>
        %get3A_384 = arith.index_cast %scan3A_115 : i32 to index
        %get3A_385 = arith.constant 304 : index
        %get3A_386 = tpu.vector_load %arg10[%get3A_384, %get3A_385] {strides = array<i32>} : memref<48x512xf32, #tpu.memory_space<vmem>>, vector<1x16xf32>,
        %get3A_387 = vector.shape_cast %get3A_386 : vector<1x16xf32> to vector<16xf32>
        %add3A_388 = arith.addf %get3A_383, %get3A_387 : vector<16xf32>
        %swap3A_389 = arith.index_cast %scan3A_115 : i32 to index
        %swap3A_390 = arith.constant 304 : index
        %swap3A_391 = tpu.vector_load %arg9[%swap3A_389, %swap3A_390] {strides = array<i32>} : memref<48x512xf32, #tpu.memory_space<vmem>>, vector<1x16xf32>,
        %swap3A_392 = vector.shape_cast %swap3A_391 : vector<1x16xf32> to vector<16xf32>
        %swap3A_393 = vector.shape_cast %add3A_388 : vector<16xf32> to vector<1x16xf32>
        tpu.vector_store %arg9[%swap3A_389, %swap3A_390], %swap3A_393 {strides = array<i32>} : memref<48x512xf32, #tpu.memory_space<vmem>>, vector<1x16xf32>,
        %get3A_394 = arith.index_cast %scan3A_115 : i32 to index
        %get3A_395 = arith.constant 320 : index
        %get3A_396 = tpu.vector_load %arg9[%get3A_394, %get3A_395] {strides = array<i32>} : memref<48x512xf32, #tpu.memory_space<vmem>>, vector<1x16xf32>,
        %get3A_397 = vector.shape_cast %get3A_396 : vector<1x16xf32> to vector<16xf32>
        %get3A_398 = arith.index_cast %scan3A_115 : i32 to index
        %get3A_399 = arith.constant 320 : index
        %get3A_400 = tpu.vector_load %arg10[%get3A_398, %get3A_399] {strides = array<i32>} : memref<48x512xf32, #tpu.memory_space<vmem>>, vector<1x16xf32>,
        %get3A_401 = vector.shape_cast %get3A_400 : vector<1x16xf32> to vector<16xf32>
        %add3A_402 = arith.addf %get3A_397, %get3A_401 : vector<16xf32>
        %swap3A_403 = arith.index_cast %scan3A_115 : i32 to index
        %swap3A_404 = arith.constant 320 : index
        %swap3A_405 = tpu.vector_load %arg9[%swap3A_403, %swap3A_404] {strides = array<i32>} : memref<48x512xf32, #tpu.memory_space<vmem>>, vector<1x16xf32>,
        %swap3A_406 = vector.shape_cast %swap3A_405 : vector<1x16xf32> to vector<16xf32>
        %swap3A_407 = vector.shape_cast %add3A_402 : vector<16xf32> to vector<1x16xf32>
        tpu.vector_store %arg9[%swap3A_403, %swap3A_404], %swap3A_407 {strides = array<i32>} : memref<48x512xf32, #tpu.memory_space<vmem>>, vector<1x16xf32>,
        %get3A_408 = arith.index_cast %scan3A_115 : i32 to index
        %get3A_409 = arith.constant 336 : index
        %get3A_410 = tpu.vector_load %arg9[%get3A_408, %get3A_409] {strides = array<i32>} : memref<48x512xf32, #tpu.memory_space<vmem>>, vector<1x16xf32>,
        %get3A_411 = vector.shape_cast %get3A_410 : vector<1x16xf32> to vector<16xf32>
        %get3A_412 = arith.index_cast %scan3A_115 : i32 to index
        %get3A_413 = arith.constant 336 : index
        %get3A_414 = tpu.vector_load %arg10[%get3A_412, %get3A_413] {strides = array<i32>} : memref<48x512xf32, #tpu.memory_space<vmem>>, vector<1x16xf32>,
        %get3A_415 = vector.shape_cast %get3A_414 : vector<1x16xf32> to vector<16xf32>
        %add3A_416 = arith.addf %get3A_411, %get3A_415 : vector<16xf32>
        %swap3A_417 = arith.index_cast %scan3A_115 : i32 to index
        %swap3A_418 = arith.constant 336 : index
        %swap3A_419 = tpu.vector_load %arg9[%swap3A_417, %swap3A_418] {strides = array<i32>} : memref<48x512xf32, #tpu.memory_space<vmem>>, vector<1x16xf32>,
        %swap3A_420 = vector.shape_cast %swap3A_419 : vector<1x16xf32> to vector<16xf32>
        %swap3A_421 = vector.shape_cast %add3A_416 : vector<16xf32> to vector<1x16xf32>
        tpu.vector_store %arg9[%swap3A_417, %swap3A_418], %swap3A_421 {strides = array<i32>} : memref<48x512xf32, #tpu.memory_space<vmem>>, vector<1x16xf32>,
        %get3A_422 = arith.index_cast %scan3A_115 : i32 to index
        %get3A_423 = arith.constant 352 : index
        %get3A_424 = tpu.vector_load %arg9[%get3A_422, %get3A_423] {strides = array<i32>} : memref<48x512xf32, #tpu.memory_space<vmem>>, vector<1x16xf32>,
        %get3A_425 = vector.shape_cast %get3A_424 : vector<1x16xf32> to vector<16xf32>
        %get3A_426 = arith.index_cast %scan3A_115 : i32 to index
        %get3A_427 = arith.constant 352 : index
        %get3A_428 = tpu.vector_load %arg10[%get3A_426, %get3A_427] {strides = array<i32>} : memref<48x512xf32, #tpu.memory_space<vmem>>, vector<1x16xf32>,
        %get3A_429 = vector.shape_cast %get3A_428 : vector<1x16xf32> to vector<16xf32>
        %add3A_430 = arith.addf %get3A_425, %get3A_429 : vector<16xf32>
        %swap3A_431 = arith.index_cast %scan3A_115 : i32 to index
        %swap3A_432 = arith.constant 352 : index
        %swap3A_433 = tpu.vector_load %arg9[%swap3A_431, %swap3A_432] {strides = array<i32>} : memref<48x512xf32, #tpu.memory_space<vmem>>, vector<1x16xf32>,
        %swap3A_434 = vector.shape_cast %swap3A_433 : vector<1x16xf32> to vector<16xf32>
        %swap3A_435 = vector.shape_cast %add3A_430 : vector<16xf32> to vector<1x16xf32>
        tpu.vector_store %arg9[%swap3A_431, %swap3A_432], %swap3A_435 {strides = array<i32>} : memref<48x512xf32, #tpu.memory_space<vmem>>, vector<1x16xf32>,
        %get3A_436 = arith.index_cast %scan3A_115 : i32 to index
        %get3A_437 = arith.constant 368 : index
        %get3A_438 = tpu.vector_load %arg9[%get3A_436, %get3A_437] {strides = array<i32>} : memref<48x512xf32, #tpu.memory_space<vmem>>, vector<1x16xf32>,
        %get3A_439 = vector.shape_cast %get3A_438 : vector<1x16xf32> to vector<16xf32>
        %get3A_440 = arith.index_cast %scan3A_115 : i32 to index
        %get3A_441 = arith.constant 368 : index
        %get3A_442 = tpu.vector_load %arg10[%get3A_440, %get3A_441] {strides = array<i32>} : memref<48x512xf32, #tpu.memory_space<vmem>>, vector<1x16xf32>,
        %get3A_443 = vector.shape_cast %get3A_442 : vector<1x16xf32> to vector<16xf32>
        %add3A_444 = arith.addf %get3A_439, %get3A_443 : vector<16xf32>
        %swap3A_445 = arith.index_cast %scan3A_115 : i32 to index
        %swap3A_446 = arith.constant 368 : index
        %swap3A_447 = tpu.vector_load %arg9[%swap3A_445, %swap3A_446] {strides = array<i32>} : memref<48x512xf32, #tpu.memory_space<vmem>>, vector<1x16xf32>,
        %swap3A_448 = vector.shape_cast %swap3A_447 : vector<1x16xf32> to vector<16xf32>
        %swap3A_449 = vector.shape_cast %add3A_444 : vector<16xf32> to vector<1x16xf32>
        tpu.vector_store %arg9[%swap3A_445, %swap3A_446], %swap3A_449 {strides = array<i32>} : memref<48x512xf32, #tpu.memory_space<vmem>>, vector<1x16xf32>,
        %get3A_450 = arith.index_cast %scan3A_115 : i32 to index
        %get3A_451 = arith.constant 384 : index
        %get3A_452 = tpu.vector_load %arg9[%get3A_450, %get3A_451] {strides = array<i32>} : memref<48x512xf32, #tpu.memory_space<vmem>>, vector<1x16xf32>,
        %get3A_453 = vector.shape_cast %get3A_452 : vector<1x16xf32> to vector<16xf32>
        %get3A_454 = arith.index_cast %scan3A_115 : i32 to index
        %get3A_455 = arith.constant 384 : index
        %get3A_456 = tpu.vector_load %arg10[%get3A_454, %get3A_455] {strides = array<i32>} : memref<48x512xf32, #tpu.memory_space<vmem>>, vector<1x16xf32>,
        %get3A_457 = vector.shape_cast %get3A_456 : vector<1x16xf32> to vector<16xf32>
        %add3A_458 = arith.addf %get3A_453, %get3A_457 : vector<16xf32>
        %swap3A_459 = arith.index_cast %scan3A_115 : i32 to index
        %swap3A_460 = arith.constant 384 : index
        %swap3A_461 = tpu.vector_load %arg9[%swap3A_459, %swap3A_460] {strides = array<i32>} : memref<48x512xf32, #tpu.memory_space<vmem>>, vector<1x16xf32>,
        %swap3A_462 = vector.shape_cast %swap3A_461 : vector<1x16xf32> to vector<16xf32>
        %swap3A_463 = vector.shape_cast %add3A_458 : vector<16xf32> to vector<1x16xf32>
        tpu.vector_store %arg9[%swap3A_459, %swap3A_460], %swap3A_463 {strides = array<i32>} : memref<48x512xf32, #tpu.memory_space<vmem>>, vector<1x16xf32>,
        %get3A_464 = arith.index_cast %scan3A_115 : i32 to index
        %get3A_465 = arith.constant 400 : index
        %get3A_466 = tpu.vector_load %arg9[%get3A_464, %get3A_465] {strides = array<i32>} : memref<48x512xf32, #tpu.memory_space<vmem>>, vector<1x16xf32>,
        %get3A_467 = vector.shape_cast %get3A_466 : vector<1x16xf32> to vector<16xf32>
        %get3A_468 = arith.index_cast %scan3A_115 : i32 to index
        %get3A_469 = arith.constant 400 : index
        %get3A_470 = tpu.vector_load %arg10[%get3A_468, %get3A_469] {strides = array<i32>} : memref<48x512xf32, #tpu.memory_space<vmem>>, vector<1x16xf32>,
        %get3A_471 = vector.shape_cast %get3A_470 : vector<1x16xf32> to vector<16xf32>
        %add3A_472 = arith.addf %get3A_467, %get3A_471 : vector<16xf32>
        %swap3A_473 = arith.index_cast %scan3A_115 : i32 to index
        %swap3A_474 = arith.constant 400 : index
        %swap3A_475 = tpu.vector_load %arg9[%swap3A_473, %swap3A_474] {strides = array<i32>} : memref<48x512xf32, #tpu.memory_space<vmem>>, vector<1x16xf32>,
        %swap3A_476 = vector.shape_cast %swap3A_475 : vector<1x16xf32> to vector<16xf32>
        %swap3A_477 = vector.shape_cast %add3A_472 : vector<16xf32> to vector<1x16xf32>
        tpu.vector_store %arg9[%swap3A_473, %swap3A_474], %swap3A_477 {strides = array<i32>} : memref<48x512xf32, #tpu.memory_space<vmem>>, vector<1x16xf32>,
        %get3A_478 = arith.index_cast %scan3A_115 : i32 to index
        %get3A_479 = arith.constant 416 : index
        %get3A_480 = tpu.vector_load %arg9[%get3A_478, %get3A_479] {strides = array<i32>} : memref<48x512xf32, #tpu.memory_space<vmem>>, vector<1x16xf32>,
        %get3A_481 = vector.shape_cast %get3A_480 : vector<1x16xf32> to vector<16xf32>
        %get3A_482 = arith.index_cast %scan3A_115 : i32 to index
        %get3A_483 = arith.constant 416 : index
        %get3A_484 = tpu.vector_load %arg10[%get3A_482, %get3A_483] {strides = array<i32>} : memref<48x512xf32, #tpu.memory_space<vmem>>, vector<1x16xf32>,
        %get3A_485 = vector.shape_cast %get3A_484 : vector<1x16xf32> to vector<16xf32>
        %add3A_486 = arith.addf %get3A_481, %get3A_485 : vector<16xf32>
        %swap3A_487 = arith.index_cast %scan3A_115 : i32 to index
        %swap3A_488 = arith.constant 416 : index
        %swap3A_489 = tpu.vector_load %arg9[%swap3A_487, %swap3A_488] {strides = array<i32>} : memref<48x512xf32, #tpu.memory_space<vmem>>, vector<1x16xf32>,
        %swap3A_490 = vector.shape_cast %swap3A_489 : vector<1x16xf32> to vector<16xf32>
        %swap3A_491 = vector.shape_cast %add3A_486 : vector<16xf32> to vector<1x16xf32>
        tpu.vector_store %arg9[%swap3A_487, %swap3A_488], %swap3A_491 {strides = array<i32>} : memref<48x512xf32, #tpu.memory_space<vmem>>, vector<1x16xf32>,
        %get3A_492 = arith.index_cast %scan3A_115 : i32 to index
        %get3A_493 = arith.constant 432 : index
        %get3A_494 = tpu.vector_load %arg9[%get3A_492, %get3A_493] {strides = array<i32>} : memref<48x512xf32, #tpu.memory_space<vmem>>, vector<1x16xf32>,
        %get3A_495 = vector.shape_cast %get3A_494 : vector<1x16xf32> to vector<16xf32>
        %get3A_496 = arith.index_cast %scan3A_115 : i32 to index
        %get3A_497 = arith.constant 432 : index
        %get3A_498 = tpu.vector_load %arg10[%get3A_496, %get3A_497] {strides = array<i32>} : memref<48x512xf32, #tpu.memory_space<vmem>>, vector<1x16xf32>,
        %get3A_499 = vector.shape_cast %get3A_498 : vector<1x16xf32> to vector<16xf32>
        %add3A_500 = arith.addf %get3A_495, %get3A_499 : vector<16xf32>
        %swap3A_501 = arith.index_cast %scan3A_115 : i32 to index
        %swap3A_502 = arith.constant 432 : index
        %swap3A_503 = tpu.vector_load %arg9[%swap3A_501, %swap3A_502] {strides = array<i32>} : memref<48x512xf32, #tpu.memory_space<vmem>>, vector<1x16xf32>,
        %swap3A_504 = vector.shape_cast %swap3A_503 : vector<1x16xf32> to vector<16xf32>
        %swap3A_505 = vector.shape_cast %add3A_500 : vector<16xf32> to vector<1x16xf32>
        tpu.vector_store %arg9[%swap3A_501, %swap3A_502], %swap3A_505 {strides = array<i32>} : memref<48x512xf32, #tpu.memory_space<vmem>>, vector<1x16xf32>,
        %get3A_506 = arith.index_cast %scan3A_115 : i32 to index
        %get3A_507 = arith.constant 448 : index
        %get3A_508 = tpu.vector_load %arg9[%get3A_506, %get3A_507] {strides = array<i32>} : memref<48x512xf32, #tpu.memory_space<vmem>>, vector<1x16xf32>,
        %get3A_509 = vector.shape_cast %get3A_508 : vector<1x16xf32> to vector<16xf32>
        %get3A_510 = arith.index_cast %scan3A_115 : i32 to index
        %get3A_511 = arith.constant 448 : index
        %get3A_512 = tpu.vector_load %arg10[%get3A_510, %get3A_511] {strides = array<i32>} : memref<48x512xf32, #tpu.memory_space<vmem>>, vector<1x16xf32>,
        %get3A_513 = vector.shape_cast %get3A_512 : vector<1x16xf32> to vector<16xf32>
        %add3A_514 = arith.addf %get3A_509, %get3A_513 : vector<16xf32>
        %swap3A_515 = arith.index_cast %scan3A_115 : i32 to index
        %swap3A_516 = arith.constant 448 : index
        %swap3A_517 = tpu.vector_load %arg9[%swap3A_515, %swap3A_516] {strides = array<i32>} : memref<48x512xf32, #tpu.memory_space<vmem>>, vector<1x16xf32>,
        %swap3A_518 = vector.shape_cast %swap3A_517 : vector<1x16xf32> to vector<16xf32>
        %swap3A_519 = vector.shape_cast %add3A_514 : vector<16xf32> to vector<1x16xf32>
        tpu.vector_store %arg9[%swap3A_515, %swap3A_516], %swap3A_519 {strides = array<i32>} : memref<48x512xf32, #tpu.memory_space<vmem>>, vector<1x16xf32>,
        %get3A_520 = arith.index_cast %scan3A_115 : i32 to index
        %get3A_521 = arith.constant 464 : index
        %get3A_522 = tpu.vector_load %arg9[%get3A_520, %get3A_521] {strides = array<i32>} : memref<48x512xf32, #tpu.memory_space<vmem>>, vector<1x16xf32>,
        %get3A_523 = vector.shape_cast %get3A_522 : vector<1x16xf32> to vector<16xf32>
        %get3A_524 = arith.index_cast %scan3A_115 : i32 to index
        %get3A_525 = arith.constant 464 : index
        %get3A_526 = tpu.vector_load %arg10[%get3A_524, %get3A_525] {strides = array<i32>} : memref<48x512xf32, #tpu.memory_space<vmem>>, vector<1x16xf32>,
        %get3A_527 = vector.shape_cast %get3A_526 : vector<1x16xf32> to vector<16xf32>
        %add3A_528 = arith.addf %get3A_523, %get3A_527 : vector<16xf32>
        %swap3A_529 = arith.index_cast %scan3A_115 : i32 to index
        %swap3A_530 = arith.constant 464 : index
        %swap3A_531 = tpu.vector_load %arg9[%swap3A_529, %swap3A_530] {strides = array<i32>} : memref<48x512xf32, #tpu.memory_space<vmem>>, vector<1x16xf32>,
        %swap3A_532 = vector.shape_cast %swap3A_531 : vector<1x16xf32> to vector<16xf32>
        %swap3A_533 = vector.shape_cast %add3A_528 : vector<16xf32> to vector<1x16xf32>
        tpu.vector_store %arg9[%swap3A_529, %swap3A_530], %swap3A_533 {strides = array<i32>} : memref<48x512xf32, #tpu.memory_space<vmem>>, vector<1x16xf32>,
        %get3A_534 = arith.index_cast %scan3A_115 : i32 to index
        %get3A_535 = arith.constant 480 : index
        %get3A_536 = tpu.vector_load %arg9[%get3A_534, %get3A_535] {strides = array<i32>} : memref<48x512xf32, #tpu.memory_space<vmem>>, vector<1x16xf32>,
        %get3A_537 = vector.shape_cast %get3A_536 : vector<1x16xf32> to vector<16xf32>
        %get3A_538 = arith.index_cast %scan3A_115 : i32 to index
        %get3A_539 = arith.constant 480 : index
        %get3A_540 = tpu.vector_load %arg10[%get3A_538, %get3A_539] {strides = array<i32>} : memref<48x512xf32, #tpu.memory_space<vmem>>, vector<1x16xf32>,
        %get3A_541 = vector.shape_cast %get3A_540 : vector<1x16xf32> to vector<16xf32>
        %add3A_542 = arith.addf %get3A_537, %get3A_541 : vector<16xf32>
        %swap3A_543 = arith.index_cast %scan3A_115 : i32 to index
        %swap3A_544 = arith.constant 480 : index
        %swap3A_545 = tpu.vector_load %arg9[%swap3A_543, %swap3A_544] {strides = array<i32>} : memref<48x512xf32, #tpu.memory_space<vmem>>, vector<1x16xf32>,
        %swap3A_546 = vector.shape_cast %swap3A_545 : vector<1x16xf32> to vector<16xf32>
        %swap3A_547 = vector.shape_cast %add3A_542 : vector<16xf32> to vector<1x16xf32>
        tpu.vector_store %arg9[%swap3A_543, %swap3A_544], %swap3A_547 {strides = array<i32>} : memref<48x512xf32, #tpu.memory_space<vmem>>, vector<1x16xf32>,
        %get3A_548 = arith.index_cast %scan3A_115 : i32 to index
        %get3A_549 = arith.constant 496 : index
        %get3A_550 = tpu.vector_load %arg9[%get3A_548, %get3A_549] {strides = array<i32>} : memref<48x512xf32, #tpu.memory_space<vmem>>, vector<1x16xf32>,
        %get3A_551 = vector.shape_cast %get3A_550 : vector<1x16xf32> to vector<16xf32>
        %get3A_552 = arith.index_cast %scan3A_115 : i32 to index
        %get3A_553 = arith.constant 496 : index
        %get3A_554 = tpu.vector_load %arg10[%get3A_552, %get3A_553] {strides = array<i32>} : memref<48x512xf32, #tpu.memory_space<vmem>>, vector<1x16xf32>,
        %get3A_555 = vector.shape_cast %get3A_554 : vector<1x16xf32> to vector<16xf32>
        %add3A_556 = arith.addf %get3A_551, %get3A_555 : vector<16xf32>
        %swap3A_557 = arith.index_cast %scan3A_115 : i32 to index
        %swap3A_558 = arith.constant 496 : index
        %swap3A_559 = tpu.vector_load %arg9[%swap3A_557, %swap3A_558] {strides = array<i32>} : memref<48x512xf32, #tpu.memory_space<vmem>>, vector<1x16xf32>,
        %swap3A_560 = vector.shape_cast %swap3A_559 : vector<1x16xf32> to vector<16xf32>
        %swap3A_561 = vector.shape_cast %add3A_556 : vector<16xf32> to vector<1x16xf32>
        tpu.vector_store %arg9[%swap3A_557, %swap3A_558], %swap3A_561 {strides = array<i32>} : memref<48x512xf32, #tpu.memory_space<vmem>>, vector<1x16xf32>,
      }
      %scan3A_77 = arith.constant 48 : i32
      %mul3A_78 = arith.constant 48 : i32
      %mul3A_79 = arith.muli %mul3A_45, %mul3A_78 : i32
      %add3A_80 = arith.addi %mul3A_2, %mul3A_79 : i32
      %multiple_of3A_81 = tpu.assume_multiple %add3A_80, 48 : i32
      %dma_start3A_82 = arith.constant 0 : i32
      %dma_start3A_83 = tpu.memref_slice %arg6[%multiple_of3A_81, %dma_start3A_82] : memref<76800x512xf32, #tpu.memory_space<hbm>> -> memref<48x512xf32, #tpu.memory_space<hbm>>
      %dma_start3A_84 = arith.constant 0 : i32
      %dma_start3A_85 = tpu.memref_slice %arg6[%multiple_of3A_81, %dma_start3A_84] : memref<76800x512xf32, #tpu.memory_space<hbm>> -> memref<48x512xf32, #tpu.memory_space<hbm>>
      tpu.enqueue_dma source(%arg9 : memref<48x512xf32, #tpu.memory_space<vmem>>) target(%dma_start3A_85 : memref<48x512xf32, #tpu.memory_space<hbm>>) target_semaphore(%arg18 : memref<!tpu.dma_semaphore, #tpu.memory_space<semaphore_mem>>)
      %lt3A = arith.constant 24 : i32
      %lt3A_86 = arith.cmpi slt, %scan3A_43, %lt3A : i32
      %convert_element_type3A_87 = arith.extui %lt3A_86 : i1 to i32
      %cond3A_88 = arith.constant 0 : i32
      %cond3A_89 = arith.cmpi ne, %convert_element_type3A_87, %cond3A_88 : i32
      scf.if %cond3A_89 {
        %mul3A_115 = arith.constant 48 : i32
        %mul3A_116 = arith.muli %mul3A_45, %mul3A_115 : i32
        %add3A_117 = arith.addi %mul3A_2, %mul3A_116 : i32
        %multiple_of3A_118 = tpu.assume_multiple %add3A_117, 48 : i32
        %dma_wait3A_119 = arith.constant 0 : i32
        %dma_wait3A_120 = tpu.memref_slice %arg6[%multiple_of3A_118, %dma_wait3A_119] : memref<76800x512xf32, #tpu.memory_space<hbm>> -> memref<48x512xf32, #tpu.memory_space<hbm>>
        %dma_wait3A_121 = arith.constant 0 : i32
        %dma_wait3A_122 = tpu.memref_slice %arg6[%multiple_of3A_118, %dma_wait3A_121] : memref<76800x512xf32, #tpu.memory_space<hbm>> -> memref<48x512xf32, #tpu.memory_space<hbm>>
        tpu.wait_dma2 semaphore(%arg18 : memref<!tpu.dma_semaphore, #tpu.memory_space<semaphore_mem>>) src(%arg9 : memref<48x512xf32, #tpu.memory_space<vmem>>) dst(%dma_wait3A_122 : memref<48x512xf32, #tpu.memory_space<hbm>>)
        %add3A_123 = arith.constant 2 : i32
        %add3A_124 = arith.addi %mul3A_45, %add3A_123 : i32
        %mul3A_125 = arith.constant 48 : i32
        %mul3A_126 = arith.muli %add3A_124, %mul3A_125 : i32
        %multiple_of3A_127 = tpu.assume_multiple %mul3A_126, 48 : i32
        %dma_start3A_128 = tpu.memref_slice %arg7[%multiple_of3A_127] : memref<2400xi32, #tpu.memory_space<vmem>> -> memref<48xi32, #tpu.memory_space<vmem>>
        %dma_start3A_129 = arith.constant 0 : i32
        %dma_start3A_130 = arith.constant 0 : i32
        %dma_start3A_131 = tpu.memref_slice %arg4[%dma_start3A_129, %dma_start3A_130] : memref<60697x512xf32, #tpu.memory_space<hbm>> -> memref<60697x512xf32, #tpu.memory_space<hbm>>
        tpu.enqueue_indirect_dma source(%dma_start3A_131 : memref<60697x512xf32, #tpu.memory_space<hbm>>) target(%arg9 : memref<48x512xf32, #tpu.memory_space<vmem>>) offsets(%dma_start3A_128 : memref<48xi32, #tpu.memory_space<vmem>>) semaphore(%arg14 : memref<!tpu.dma_semaphore, #tpu.memory_space<semaphore_mem>>)
        %dma_start3A_132 = tpu.memref_slice %arg8[%multiple_of3A_127] : memref<2400xi32, #tpu.memory_space<vmem>> -> memref<48xi32, #tpu.memory_space<vmem>>
        %dma_start3A_133 = arith.constant 0 : i32
        %dma_start3A_134 = arith.constant 0 : i32
        %dma_start3A_135 = tpu.memref_slice %arg13[%dma_start3A_133, %dma_start3A_134] : memref<1792x512xf32, #tpu.memory_space<hbm>> -> memref<1792x512xf32, #tpu.memory_space<hbm>>
        tpu.enqueue_indirect_dma source(%dma_start3A_135 : memref<1792x512xf32, #tpu.memory_space<hbm>>) target(%arg10 : memref<48x512xf32, #tpu.memory_space<vmem>>) offsets(%dma_start3A_132 : memref<48xi32, #tpu.memory_space<vmem>>) semaphore(%arg15 : memref<!tpu.dma_semaphore, #tpu.memory_space<semaphore_mem>>)
      } else {
      }
      %mul3A_90 = arith.constant 48 : i32
      %mul3A_91 = arith.muli %add3A_47, %mul3A_90 : i32
      %multiple_of3A_92 = tpu.assume_multiple %mul3A_91, 48 : i32
      %dma_wait3A_93 = tpu.memref_slice %arg7[%multiple_of3A_92] : memref<2400xi32, #tpu.memory_space<vmem>> -> memref<48xi32, #tpu.memory_space<vmem>>
      %dma_wait3A_94 = arith.constant 0 : i32
      %dma_wait3A_95 = arith.constant 0 : i32
      %dma_wait3A_96 = tpu.memref_slice %arg4[%dma_wait3A_94, %dma_wait3A_95] : memref<60697x512xf32, #tpu.memory_space<hbm>> -> memref<60697x512xf32, #tpu.memory_space<hbm>>
      tpu.wait_indirect_dma semaphore(%arg16 : memref<!tpu.dma_semaphore, #tpu.memory_space<semaphore_mem>>) src(%dma_wait3A_96 : memref<60697x512xf32, #tpu.memory_space<hbm>>) dst(%arg11 : memref<48x512xf32, #tpu.memory_space<vmem>>)
      %dma_wait3A_97 = tpu.memref_slice %arg8[%multiple_of3A_92] : memref<2400xi32, #tpu.memory_space<vmem>> -> memref<48xi32, #tpu.memory_space<vmem>>
      %dma_wait3A_98 = arith.constant 0 : i32
      %dma_wait3A_99 = arith.constant 0 : i32
      %dma_wait3A_100 = tpu.memref_slice %arg13[%dma_wait3A_98, %dma_wait3A_99] : memref<1792x512xf32, #tpu.memory_space<hbm>> -> memref<1792x512xf32, #tpu.memory_space<hbm>>
      tpu.wait_indirect_dma semaphore(%arg17 : memref<!tpu.dma_semaphore, #tpu.memory_space<semaphore_mem>>) src(%dma_wait3A_100 : memref<1792x512xf32, #tpu.memory_space<hbm>>) dst(%arg12 : memref<48x512xf32, #tpu.memory_space<vmem>>)
      %scan3A_101 = arith.constant 0 : i32
      %scan3A_102 = arith.constant 0 : i32
      %scan3A_103 = arith.constant 48 : i32
      %scan3A_104 = arith.addi %scan3A_102, %scan3A_103 : i32
      %scan3A_105 = arith.constant 1 : i32
      scf.for %scan3A_115 = %scan3A_102 to %scan3A_104 step %scan3A_105  : i32 {
        %get3A = arith.index_cast %scan3A_115 : i32 to index
        %get3A_116 = arith.constant 0 : index
        %get3A_117 = tpu.vector_load %arg11[%get3A, %get3A_116] {strides = array<i32>} : memref<48x512xf32, #tpu.memory_space<vmem>>, vector<1x16xf32>,
        %get3A_118 = vector.shape_cast %get3A_117 : vector<1x16xf32> to vector<16xf32>
        %get3A_119 = arith.index_cast %scan3A_115 : i32 to index
        %get3A_120 = arith.constant 0 : index
        %get3A_121 = tpu.vector_load %arg12[%get3A_119, %get3A_120] {strides = array<i32>} : memref<48x512xf32, #tpu.memory_space<vmem>>, vector<1x16xf32>,
        %get3A_122 = vector.shape_cast %get3A_121 : vector<1x16xf32> to vector<16xf32>
        %add3A_123 = arith.addf %get3A_118, %get3A_122 : vector<16xf32>
        %swap3A = arith.index_cast %scan3A_115 : i32 to index
        %swap3A_124 = arith.constant 0 : index
        %swap3A_125 = tpu.vector_load %arg11[%swap3A, %swap3A_124] {strides = array<i32>} : memref<48x512xf32, #tpu.memory_space<vmem>>, vector<1x16xf32>,
        %swap3A_126 = vector.shape_cast %swap3A_125 : vector<1x16xf32> to vector<16xf32>
        %swap3A_127 = vector.shape_cast %add3A_123 : vector<16xf32> to vector<1x16xf32>
        tpu.vector_store %arg11[%swap3A, %swap3A_124], %swap3A_127 {strides = array<i32>} : memref<48x512xf32, #tpu.memory_space<vmem>>, vector<1x16xf32>,
        %get3A_128 = arith.index_cast %scan3A_115 : i32 to index
        %get3A_129 = arith.constant 16 : index
        %get3A_130 = tpu.vector_load %arg11[%get3A_128, %get3A_129] {strides = array<i32>} : memref<48x512xf32, #tpu.memory_space<vmem>>, vector<1x16xf32>,
        %get3A_131 = vector.shape_cast %get3A_130 : vector<1x16xf32> to vector<16xf32>
        %get3A_132 = arith.index_cast %scan3A_115 : i32 to index
        %get3A_133 = arith.constant 16 : index
        %get3A_134 = tpu.vector_load %arg12[%get3A_132, %get3A_133] {strides = array<i32>} : memref<48x512xf32, #tpu.memory_space<vmem>>, vector<1x16xf32>,
        %get3A_135 = vector.shape_cast %get3A_134 : vector<1x16xf32> to vector<16xf32>
        %add3A_136 = arith.addf %get3A_131, %get3A_135 : vector<16xf32>
        %swap3A_137 = arith.index_cast %scan3A_115 : i32 to index
        %swap3A_138 = arith.constant 16 : index
        %swap3A_139 = tpu.vector_load %arg11[%swap3A_137, %swap3A_138] {strides = array<i32>} : memref<48x512xf32, #tpu.memory_space<vmem>>, vector<1x16xf32>,
        %swap3A_140 = vector.shape_cast %swap3A_139 : vector<1x16xf32> to vector<16xf32>
        %swap3A_141 = vector.shape_cast %add3A_136 : vector<16xf32> to vector<1x16xf32>
        tpu.vector_store %arg11[%swap3A_137, %swap3A_138], %swap3A_141 {strides = array<i32>} : memref<48x512xf32, #tpu.memory_space<vmem>>, vector<1x16xf32>,
        %get3A_142 = arith.index_cast %scan3A_115 : i32 to index
        %get3A_143 = arith.constant 32 : index
        %get3A_144 = tpu.vector_load %arg11[%get3A_142, %get3A_143] {strides = array<i32>} : memref<48x512xf32, #tpu.memory_space<vmem>>, vector<1x16xf32>,
        %get3A_145 = vector.shape_cast %get3A_144 : vector<1x16xf32> to vector<16xf32>
        %get3A_146 = arith.index_cast %scan3A_115 : i32 to index
        %get3A_147 = arith.constant 32 : index
        %get3A_148 = tpu.vector_load %arg12[%get3A_146, %get3A_147] {strides = array<i32>} : memref<48x512xf32, #tpu.memory_space<vmem>>, vector<1x16xf32>,
        %get3A_149 = vector.shape_cast %get3A_148 : vector<1x16xf32> to vector<16xf32>
        %add3A_150 = arith.addf %get3A_145, %get3A_149 : vector<16xf32>
        %swap3A_151 = arith.index_cast %scan3A_115 : i32 to index
        %swap3A_152 = arith.constant 32 : index
        %swap3A_153 = tpu.vector_load %arg11[%swap3A_151, %swap3A_152] {strides = array<i32>} : memref<48x512xf32, #tpu.memory_space<vmem>>, vector<1x16xf32>,
        %swap3A_154 = vector.shape_cast %swap3A_153 : vector<1x16xf32> to vector<16xf32>
        %swap3A_155 = vector.shape_cast %add3A_150 : vector<16xf32> to vector<1x16xf32>
        tpu.vector_store %arg11[%swap3A_151, %swap3A_152], %swap3A_155 {strides = array<i32>} : memref<48x512xf32, #tpu.memory_space<vmem>>, vector<1x16xf32>,
        %get3A_156 = arith.index_cast %scan3A_115 : i32 to index
        %get3A_157 = arith.constant 48 : index
        %get3A_158 = tpu.vector_load %arg11[%get3A_156, %get3A_157] {strides = array<i32>} : memref<48x512xf32, #tpu.memory_space<vmem>>, vector<1x16xf32>,
        %get3A_159 = vector.shape_cast %get3A_158 : vector<1x16xf32> to vector<16xf32>
        %get3A_160 = arith.index_cast %scan3A_115 : i32 to index
        %get3A_161 = arith.constant 48 : index
        %get3A_162 = tpu.vector_load %arg12[%get3A_160, %get3A_161] {strides = array<i32>} : memref<48x512xf32, #tpu.memory_space<vmem>>, vector<1x16xf32>,
        %get3A_163 = vector.shape_cast %get3A_162 : vector<1x16xf32> to vector<16xf32>
        %add3A_164 = arith.addf %get3A_159, %get3A_163 : vector<16xf32>
        %swap3A_165 = arith.index_cast %scan3A_115 : i32 to index
        %swap3A_166 = arith.constant 48 : index
        %swap3A_167 = tpu.vector_load %arg11[%swap3A_165, %swap3A_166] {strides = array<i32>} : memref<48x512xf32, #tpu.memory_space<vmem>>, vector<1x16xf32>,
        %swap3A_168 = vector.shape_cast %swap3A_167 : vector<1x16xf32> to vector<16xf32>
        %swap3A_169 = vector.shape_cast %add3A_164 : vector<16xf32> to vector<1x16xf32>
        tpu.vector_store %arg11[%swap3A_165, %swap3A_166], %swap3A_169 {strides = array<i32>} : memref<48x512xf32, #tpu.memory_space<vmem>>, vector<1x16xf32>,
        %get3A_170 = arith.index_cast %scan3A_115 : i32 to index
        %get3A_171 = arith.constant 64 : index
        %get3A_172 = tpu.vector_load %arg11[%get3A_170, %get3A_171] {strides = array<i32>} : memref<48x512xf32, #tpu.memory_space<vmem>>, vector<1x16xf32>,
        %get3A_173 = vector.shape_cast %get3A_172 : vector<1x16xf32> to vector<16xf32>
        %get3A_174 = arith.index_cast %scan3A_115 : i32 to index
        %get3A_175 = arith.constant 64 : index
        %get3A_176 = tpu.vector_load %arg12[%get3A_174, %get3A_175] {strides = array<i32>} : memref<48x512xf32, #tpu.memory_space<vmem>>, vector<1x16xf32>,
        %get3A_177 = vector.shape_cast %get3A_176 : vector<1x16xf32> to vector<16xf32>
        %add3A_178 = arith.addf %get3A_173, %get3A_177 : vector<16xf32>
        %swap3A_179 = arith.index_cast %scan3A_115 : i32 to index
        %swap3A_180 = arith.constant 64 : index
        %swap3A_181 = tpu.vector_load %arg11[%swap3A_179, %swap3A_180] {strides = array<i32>} : memref<48x512xf32, #tpu.memory_space<vmem>>, vector<1x16xf32>,
        %swap3A_182 = vector.shape_cast %swap3A_181 : vector<1x16xf32> to vector<16xf32>
        %swap3A_183 = vector.shape_cast %add3A_178 : vector<16xf32> to vector<1x16xf32>
        tpu.vector_store %arg11[%swap3A_179, %swap3A_180], %swap3A_183 {strides = array<i32>} : memref<48x512xf32, #tpu.memory_space<vmem>>, vector<1x16xf32>,
        %get3A_184 = arith.index_cast %scan3A_115 : i32 to index
        %get3A_185 = arith.constant 80 : index
        %get3A_186 = tpu.vector_load %arg11[%get3A_184, %get3A_185] {strides = array<i32>} : memref<48x512xf32, #tpu.memory_space<vmem>>, vector<1x16xf32>,
        %get3A_187 = vector.shape_cast %get3A_186 : vector<1x16xf32> to vector<16xf32>
        %get3A_188 = arith.index_cast %scan3A_115 : i32 to index
        %get3A_189 = arith.constant 80 : index
        %get3A_190 = tpu.vector_load %arg12[%get3A_188, %get3A_189] {strides = array<i32>} : memref<48x512xf32, #tpu.memory_space<vmem>>, vector<1x16xf32>,
        %get3A_191 = vector.shape_cast %get3A_190 : vector<1x16xf32> to vector<16xf32>
        %add3A_192 = arith.addf %get3A_187, %get3A_191 : vector<16xf32>
        %swap3A_193 = arith.index_cast %scan3A_115 : i32 to index
        %swap3A_194 = arith.constant 80 : index
        %swap3A_195 = tpu.vector_load %arg11[%swap3A_193, %swap3A_194] {strides = array<i32>} : memref<48x512xf32, #tpu.memory_space<vmem>>, vector<1x16xf32>,
        %swap3A_196 = vector.shape_cast %swap3A_195 : vector<1x16xf32> to vector<16xf32>
        %swap3A_197 = vector.shape_cast %add3A_192 : vector<16xf32> to vector<1x16xf32>
        tpu.vector_store %arg11[%swap3A_193, %swap3A_194], %swap3A_197 {strides = array<i32>} : memref<48x512xf32, #tpu.memory_space<vmem>>, vector<1x16xf32>,
        %get3A_198 = arith.index_cast %scan3A_115 : i32 to index
        %get3A_199 = arith.constant 96 : index
        %get3A_200 = tpu.vector_load %arg11[%get3A_198, %get3A_199] {strides = array<i32>} : memref<48x512xf32, #tpu.memory_space<vmem>>, vector<1x16xf32>,
        %get3A_201 = vector.shape_cast %get3A_200 : vector<1x16xf32> to vector<16xf32>
        %get3A_202 = arith.index_cast %scan3A_115 : i32 to index
        %get3A_203 = arith.constant 96 : index
        %get3A_204 = tpu.vector_load %arg12[%get3A_202, %get3A_203] {strides = array<i32>} : memref<48x512xf32, #tpu.memory_space<vmem>>, vector<1x16xf32>,
        %get3A_205 = vector.shape_cast %get3A_204 : vector<1x16xf32> to vector<16xf32>
        %add3A_206 = arith.addf %get3A_201, %get3A_205 : vector<16xf32>
        %swap3A_207 = arith.index_cast %scan3A_115 : i32 to index
        %swap3A_208 = arith.constant 96 : index
        %swap3A_209 = tpu.vector_load %arg11[%swap3A_207, %swap3A_208] {strides = array<i32>} : memref<48x512xf32, #tpu.memory_space<vmem>>, vector<1x16xf32>,
        %swap3A_210 = vector.shape_cast %swap3A_209 : vector<1x16xf32> to vector<16xf32>
        %swap3A_211 = vector.shape_cast %add3A_206 : vector<16xf32> to vector<1x16xf32>
        tpu.vector_store %arg11[%swap3A_207, %swap3A_208], %swap3A_211 {strides = array<i32>} : memref<48x512xf32, #tpu.memory_space<vmem>>, vector<1x16xf32>,
        %get3A_212 = arith.index_cast %scan3A_115 : i32 to index
        %get3A_213 = arith.constant 112 : index
        %get3A_214 = tpu.vector_load %arg11[%get3A_212, %get3A_213] {strides = array<i32>} : memref<48x512xf32, #tpu.memory_space<vmem>>, vector<1x16xf32>,
        %get3A_215 = vector.shape_cast %get3A_214 : vector<1x16xf32> to vector<16xf32>
        %get3A_216 = arith.index_cast %scan3A_115 : i32 to index
        %get3A_217 = arith.constant 112 : index
        %get3A_218 = tpu.vector_load %arg12[%get3A_216, %get3A_217] {strides = array<i32>} : memref<48x512xf32, #tpu.memory_space<vmem>>, vector<1x16xf32>,
        %get3A_219 = vector.shape_cast %get3A_218 : vector<1x16xf32> to vector<16xf32>
        %add3A_220 = arith.addf %get3A_215, %get3A_219 : vector<16xf32>
        %swap3A_221 = arith.index_cast %scan3A_115 : i32 to index
        %swap3A_222 = arith.constant 112 : index
        %swap3A_223 = tpu.vector_load %arg11[%swap3A_221, %swap3A_222] {strides = array<i32>} : memref<48x512xf32, #tpu.memory_space<vmem>>, vector<1x16xf32>,
        %swap3A_224 = vector.shape_cast %swap3A_223 : vector<1x16xf32> to vector<16xf32>
        %swap3A_225 = vector.shape_cast %add3A_220 : vector<16xf32> to vector<1x16xf32>
        tpu.vector_store %arg11[%swap3A_221, %swap3A_222], %swap3A_225 {strides = array<i32>} : memref<48x512xf32, #tpu.memory_space<vmem>>, vector<1x16xf32>,
        %get3A_226 = arith.index_cast %scan3A_115 : i32 to index
        %get3A_227 = arith.constant 128 : index
        %get3A_228 = tpu.vector_load %arg11[%get3A_226, %get3A_227] {strides = array<i32>} : memref<48x512xf32, #tpu.memory_space<vmem>>, vector<1x16xf32>,
        %get3A_229 = vector.shape_cast %get3A_228 : vector<1x16xf32> to vector<16xf32>
        %get3A_230 = arith.index_cast %scan3A_115 : i32 to index
        %get3A_231 = arith.constant 128 : index
        %get3A_232 = tpu.vector_load %arg12[%get3A_230, %get3A_231] {strides = array<i32>} : memref<48x512xf32, #tpu.memory_space<vmem>>, vector<1x16xf32>,
        %get3A_233 = vector.shape_cast %get3A_232 : vector<1x16xf32> to vector<16xf32>
        %add3A_234 = arith.addf %get3A_229, %get3A_233 : vector<16xf32>
        %swap3A_235 = arith.index_cast %scan3A_115 : i32 to index
        %swap3A_236 = arith.constant 128 : index
        %swap3A_237 = tpu.vector_load %arg11[%swap3A_235, %swap3A_236] {strides = array<i32>} : memref<48x512xf32, #tpu.memory_space<vmem>>, vector<1x16xf32>,
        %swap3A_238 = vector.shape_cast %swap3A_237 : vector<1x16xf32> to vector<16xf32>
        %swap3A_239 = vector.shape_cast %add3A_234 : vector<16xf32> to vector<1x16xf32>
        tpu.vector_store %arg11[%swap3A_235, %swap3A_236], %swap3A_239 {strides = array<i32>} : memref<48x512xf32, #tpu.memory_space<vmem>>, vector<1x16xf32>,
        %get3A_240 = arith.index_cast %scan3A_115 : i32 to index
        %get3A_241 = arith.constant 144 : index
        %get3A_242 = tpu.vector_load %arg11[%get3A_240, %get3A_241] {strides = array<i32>} : memref<48x512xf32, #tpu.memory_space<vmem>>, vector<1x16xf32>,
        %get3A_243 = vector.shape_cast %get3A_242 : vector<1x16xf32> to vector<16xf32>
        %get3A_244 = arith.index_cast %scan3A_115 : i32 to index
        %get3A_245 = arith.constant 144 : index
        %get3A_246 = tpu.vector_load %arg12[%get3A_244, %get3A_245] {strides = array<i32>} : memref<48x512xf32, #tpu.memory_space<vmem>>, vector<1x16xf32>,
        %get3A_247 = vector.shape_cast %get3A_246 : vector<1x16xf32> to vector<16xf32>
        %add3A_248 = arith.addf %get3A_243, %get3A_247 : vector<16xf32>
        %swap3A_249 = arith.index_cast %scan3A_115 : i32 to index
        %swap3A_250 = arith.constant 144 : index
        %swap3A_251 = tpu.vector_load %arg11[%swap3A_249, %swap3A_250] {strides = array<i32>} : memref<48x512xf32, #tpu.memory_space<vmem>>, vector<1x16xf32>,
        %swap3A_252 = vector.shape_cast %swap3A_251 : vector<1x16xf32> to vector<16xf32>
        %swap3A_253 = vector.shape_cast %add3A_248 : vector<16xf32> to vector<1x16xf32>
        tpu.vector_store %arg11[%swap3A_249, %swap3A_250], %swap3A_253 {strides = array<i32>} : memref<48x512xf32, #tpu.memory_space<vmem>>, vector<1x16xf32>,
        %get3A_254 = arith.index_cast %scan3A_115 : i32 to index
        %get3A_255 = arith.constant 160 : index
        %get3A_256 = tpu.vector_load %arg11[%get3A_254, %get3A_255] {strides = array<i32>} : memref<48x512xf32, #tpu.memory_space<vmem>>, vector<1x16xf32>,
        %get3A_257 = vector.shape_cast %get3A_256 : vector<1x16xf32> to vector<16xf32>
        %get3A_258 = arith.index_cast %scan3A_115 : i32 to index
        %get3A_259 = arith.constant 160 : index
        %get3A_260 = tpu.vector_load %arg12[%get3A_258, %get3A_259] {strides = array<i32>} : memref<48x512xf32, #tpu.memory_space<vmem>>, vector<1x16xf32>,
        %get3A_261 = vector.shape_cast %get3A_260 : vector<1x16xf32> to vector<16xf32>
        %add3A_262 = arith.addf %get3A_257, %get3A_261 : vector<16xf32>
        %swap3A_263 = arith.index_cast %scan3A_115 : i32 to index
        %swap3A_264 = arith.constant 160 : index
        %swap3A_265 = tpu.vector_load %arg11[%swap3A_263, %swap3A_264] {strides = array<i32>} : memref<48x512xf32, #tpu.memory_space<vmem>>, vector<1x16xf32>,
        %swap3A_266 = vector.shape_cast %swap3A_265 : vector<1x16xf32> to vector<16xf32>
        %swap3A_267 = vector.shape_cast %add3A_262 : vector<16xf32> to vector<1x16xf32>
        tpu.vector_store %arg11[%swap3A_263, %swap3A_264], %swap3A_267 {strides = array<i32>} : memref<48x512xf32, #tpu.memory_space<vmem>>, vector<1x16xf32>,
        %get3A_268 = arith.index_cast %scan3A_115 : i32 to index
        %get3A_269 = arith.constant 176 : index
        %get3A_270 = tpu.vector_load %arg11[%get3A_268, %get3A_269] {strides = array<i32>} : memref<48x512xf32, #tpu.memory_space<vmem>>, vector<1x16xf32>,
        %get3A_271 = vector.shape_cast %get3A_270 : vector<1x16xf32> to vector<16xf32>
        %get3A_272 = arith.index_cast %scan3A_115 : i32 to index
        %get3A_273 = arith.constant 176 : index
        %get3A_274 = tpu.vector_load %arg12[%get3A_272, %get3A_273] {strides = array<i32>} : memref<48x512xf32, #tpu.memory_space<vmem>>, vector<1x16xf32>,
        %get3A_275 = vector.shape_cast %get3A_274 : vector<1x16xf32> to vector<16xf32>
        %add3A_276 = arith.addf %get3A_271, %get3A_275 : vector<16xf32>
        %swap3A_277 = arith.index_cast %scan3A_115 : i32 to index
        %swap3A_278 = arith.constant 176 : index
        %swap3A_279 = tpu.vector_load %arg11[%swap3A_277, %swap3A_278] {strides = array<i32>} : memref<48x512xf32, #tpu.memory_space<vmem>>, vector<1x16xf32>,
        %swap3A_280 = vector.shape_cast %swap3A_279 : vector<1x16xf32> to vector<16xf32>
        %swap3A_281 = vector.shape_cast %add3A_276 : vector<16xf32> to vector<1x16xf32>
        tpu.vector_store %arg11[%swap3A_277, %swap3A_278], %swap3A_281 {strides = array<i32>} : memref<48x512xf32, #tpu.memory_space<vmem>>, vector<1x16xf32>,
        %get3A_282 = arith.index_cast %scan3A_115 : i32 to index
        %get3A_283 = arith.constant 192 : index
        %get3A_284 = tpu.vector_load %arg11[%get3A_282, %get3A_283] {strides = array<i32>} : memref<48x512xf32, #tpu.memory_space<vmem>>, vector<1x16xf32>,
        %get3A_285 = vector.shape_cast %get3A_284 : vector<1x16xf32> to vector<16xf32>
        %get3A_286 = arith.index_cast %scan3A_115 : i32 to index
        %get3A_287 = arith.constant 192 : index
        %get3A_288 = tpu.vector_load %arg12[%get3A_286, %get3A_287] {strides = array<i32>} : memref<48x512xf32, #tpu.memory_space<vmem>>, vector<1x16xf32>,
        %get3A_289 = vector.shape_cast %get3A_288 : vector<1x16xf32> to vector<16xf32>
        %add3A_290 = arith.addf %get3A_285, %get3A_289 : vector<16xf32>
        %swap3A_291 = arith.index_cast %scan3A_115 : i32 to index
        %swap3A_292 = arith.constant 192 : index
        %swap3A_293 = tpu.vector_load %arg11[%swap3A_291, %swap3A_292] {strides = array<i32>} : memref<48x512xf32, #tpu.memory_space<vmem>>, vector<1x16xf32>,
        %swap3A_294 = vector.shape_cast %swap3A_293 : vector<1x16xf32> to vector<16xf32>
        %swap3A_295 = vector.shape_cast %add3A_290 : vector<16xf32> to vector<1x16xf32>
        tpu.vector_store %arg11[%swap3A_291, %swap3A_292], %swap3A_295 {strides = array<i32>} : memref<48x512xf32, #tpu.memory_space<vmem>>, vector<1x16xf32>,
        %get3A_296 = arith.index_cast %scan3A_115 : i32 to index
        %get3A_297 = arith.constant 208 : index
        %get3A_298 = tpu.vector_load %arg11[%get3A_296, %get3A_297] {strides = array<i32>} : memref<48x512xf32, #tpu.memory_space<vmem>>, vector<1x16xf32>,
        %get3A_299 = vector.shape_cast %get3A_298 : vector<1x16xf32> to vector<16xf32>
        %get3A_300 = arith.index_cast %scan3A_115 : i32 to index
        %get3A_301 = arith.constant 208 : index
        %get3A_302 = tpu.vector_load %arg12[%get3A_300, %get3A_301] {strides = array<i32>} : memref<48x512xf32, #tpu.memory_space<vmem>>, vector<1x16xf32>,
        %get3A_303 = vector.shape_cast %get3A_302 : vector<1x16xf32> to vector<16xf32>
        %add3A_304 = arith.addf %get3A_299, %get3A_303 : vector<16xf32>
        %swap3A_305 = arith.index_cast %scan3A_115 : i32 to index
        %swap3A_306 = arith.constant 208 : index
        %swap3A_307 = tpu.vector_load %arg11[%swap3A_305, %swap3A_306] {strides = array<i32>} : memref<48x512xf32, #tpu.memory_space<vmem>>, vector<1x16xf32>,
        %swap3A_308 = vector.shape_cast %swap3A_307 : vector<1x16xf32> to vector<16xf32>
        %swap3A_309 = vector.shape_cast %add3A_304 : vector<16xf32> to vector<1x16xf32>
        tpu.vector_store %arg11[%swap3A_305, %swap3A_306], %swap3A_309 {strides = array<i32>} : memref<48x512xf32, #tpu.memory_space<vmem>>, vector<1x16xf32>,
        %get3A_310 = arith.index_cast %scan3A_115 : i32 to index
        %get3A_311 = arith.constant 224 : index
        %get3A_312 = tpu.vector_load %arg11[%get3A_310, %get3A_311] {strides = array<i32>} : memref<48x512xf32, #tpu.memory_space<vmem>>, vector<1x16xf32>,
        %get3A_313 = vector.shape_cast %get3A_312 : vector<1x16xf32> to vector<16xf32>
        %get3A_314 = arith.index_cast %scan3A_115 : i32 to index
        %get3A_315 = arith.constant 224 : index
        %get3A_316 = tpu.vector_load %arg12[%get3A_314, %get3A_315] {strides = array<i32>} : memref<48x512xf32, #tpu.memory_space<vmem>>, vector<1x16xf32>,
        %get3A_317 = vector.shape_cast %get3A_316 : vector<1x16xf32> to vector<16xf32>
        %add3A_318 = arith.addf %get3A_313, %get3A_317 : vector<16xf32>
        %swap3A_319 = arith.index_cast %scan3A_115 : i32 to index
        %swap3A_320 = arith.constant 224 : index
        %swap3A_321 = tpu.vector_load %arg11[%swap3A_319, %swap3A_320] {strides = array<i32>} : memref<48x512xf32, #tpu.memory_space<vmem>>, vector<1x16xf32>,
        %swap3A_322 = vector.shape_cast %swap3A_321 : vector<1x16xf32> to vector<16xf32>
        %swap3A_323 = vector.shape_cast %add3A_318 : vector<16xf32> to vector<1x16xf32>
        tpu.vector_store %arg11[%swap3A_319, %swap3A_320], %swap3A_323 {strides = array<i32>} : memref<48x512xf32, #tpu.memory_space<vmem>>, vector<1x16xf32>,
        %get3A_324 = arith.index_cast %scan3A_115 : i32 to index
        %get3A_325 = arith.constant 240 : index
        %get3A_326 = tpu.vector_load %arg11[%get3A_324, %get3A_325] {strides = array<i32>} : memref<48x512xf32, #tpu.memory_space<vmem>>, vector<1x16xf32>,
        %get3A_327 = vector.shape_cast %get3A_326 : vector<1x16xf32> to vector<16xf32>
        %get3A_328 = arith.index_cast %scan3A_115 : i32 to index
        %get3A_329 = arith.constant 240 : index
        %get3A_330 = tpu.vector_load %arg12[%get3A_328, %get3A_329] {strides = array<i32>} : memref<48x512xf32, #tpu.memory_space<vmem>>, vector<1x16xf32>,
        %get3A_331 = vector.shape_cast %get3A_330 : vector<1x16xf32> to vector<16xf32>
        %add3A_332 = arith.addf %get3A_327, %get3A_331 : vector<16xf32>
        %swap3A_333 = arith.index_cast %scan3A_115 : i32 to index
        %swap3A_334 = arith.constant 240 : index
        %swap3A_335 = tpu.vector_load %arg11[%swap3A_333, %swap3A_334] {strides = array<i32>} : memref<48x512xf32, #tpu.memory_space<vmem>>, vector<1x16xf32>,
        %swap3A_336 = vector.shape_cast %swap3A_335 : vector<1x16xf32> to vector<16xf32>
        %swap3A_337 = vector.shape_cast %add3A_332 : vector<16xf32> to vector<1x16xf32>
        tpu.vector_store %arg11[%swap3A_333, %swap3A_334], %swap3A_337 {strides = array<i32>} : memref<48x512xf32, #tpu.memory_space<vmem>>, vector<1x16xf32>,
        %get3A_338 = arith.index_cast %scan3A_115 : i32 to index
        %get3A_339 = arith.constant 256 : index
        %get3A_340 = tpu.vector_load %arg11[%get3A_338, %get3A_339] {strides = array<i32>} : memref<48x512xf32, #tpu.memory_space<vmem>>, vector<1x16xf32>,
        %get3A_341 = vector.shape_cast %get3A_340 : vector<1x16xf32> to vector<16xf32>
        %get3A_342 = arith.index_cast %scan3A_115 : i32 to index
        %get3A_343 = arith.constant 256 : index
        %get3A_344 = tpu.vector_load %arg12[%get3A_342, %get3A_343] {strides = array<i32>} : memref<48x512xf32, #tpu.memory_space<vmem>>, vector<1x16xf32>,
        %get3A_345 = vector.shape_cast %get3A_344 : vector<1x16xf32> to vector<16xf32>
        %add3A_346 = arith.addf %get3A_341, %get3A_345 : vector<16xf32>
        %swap3A_347 = arith.index_cast %scan3A_115 : i32 to index
        %swap3A_348 = arith.constant 256 : index
        %swap3A_349 = tpu.vector_load %arg11[%swap3A_347, %swap3A_348] {strides = array<i32>} : memref<48x512xf32, #tpu.memory_space<vmem>>, vector<1x16xf32>,
        %swap3A_350 = vector.shape_cast %swap3A_349 : vector<1x16xf32> to vector<16xf32>
        %swap3A_351 = vector.shape_cast %add3A_346 : vector<16xf32> to vector<1x16xf32>
        tpu.vector_store %arg11[%swap3A_347, %swap3A_348], %swap3A_351 {strides = array<i32>} : memref<48x512xf32, #tpu.memory_space<vmem>>, vector<1x16xf32>,
        %get3A_352 = arith.index_cast %scan3A_115 : i32 to index
        %get3A_353 = arith.constant 272 : index
        %get3A_354 = tpu.vector_load %arg11[%get3A_352, %get3A_353] {strides = array<i32>} : memref<48x512xf32, #tpu.memory_space<vmem>>, vector<1x16xf32>,
        %get3A_355 = vector.shape_cast %get3A_354 : vector<1x16xf32> to vector<16xf32>
        %get3A_356 = arith.index_cast %scan3A_115 : i32 to index
        %get3A_357 = arith.constant 272 : index
        %get3A_358 = tpu.vector_load %arg12[%get3A_356, %get3A_357] {strides = array<i32>} : memref<48x512xf32, #tpu.memory_space<vmem>>, vector<1x16xf32>,
        %get3A_359 = vector.shape_cast %get3A_358 : vector<1x16xf32> to vector<16xf32>
        %add3A_360 = arith.addf %get3A_355, %get3A_359 : vector<16xf32>
        %swap3A_361 = arith.index_cast %scan3A_115 : i32 to index
        %swap3A_362 = arith.constant 272 : index
        %swap3A_363 = tpu.vector_load %arg11[%swap3A_361, %swap3A_362] {strides = array<i32>} : memref<48x512xf32, #tpu.memory_space<vmem>>, vector<1x16xf32>,
        %swap3A_364 = vector.shape_cast %swap3A_363 : vector<1x16xf32> to vector<16xf32>
        %swap3A_365 = vector.shape_cast %add3A_360 : vector<16xf32> to vector<1x16xf32>
        tpu.vector_store %arg11[%swap3A_361, %swap3A_362], %swap3A_365 {strides = array<i32>} : memref<48x512xf32, #tpu.memory_space<vmem>>, vector<1x16xf32>,
        %get3A_366 = arith.index_cast %scan3A_115 : i32 to index
        %get3A_367 = arith.constant 288 : index
        %get3A_368 = tpu.vector_load %arg11[%get3A_366, %get3A_367] {strides = array<i32>} : memref<48x512xf32, #tpu.memory_space<vmem>>, vector<1x16xf32>,
        %get3A_369 = vector.shape_cast %get3A_368 : vector<1x16xf32> to vector<16xf32>
        %get3A_370 = arith.index_cast %scan3A_115 : i32 to index
        %get3A_371 = arith.constant 288 : index
        %get3A_372 = tpu.vector_load %arg12[%get3A_370, %get3A_371] {strides = array<i32>} : memref<48x512xf32, #tpu.memory_space<vmem>>, vector<1x16xf32>,
        %get3A_373 = vector.shape_cast %get3A_372 : vector<1x16xf32> to vector<16xf32>
        %add3A_374 = arith.addf %get3A_369, %get3A_373 : vector<16xf32>
        %swap3A_375 = arith.index_cast %scan3A_115 : i32 to index
        %swap3A_376 = arith.constant 288 : index
        %swap3A_377 = tpu.vector_load %arg11[%swap3A_375, %swap3A_376] {strides = array<i32>} : memref<48x512xf32, #tpu.memory_space<vmem>>, vector<1x16xf32>,
        %swap3A_378 = vector.shape_cast %swap3A_377 : vector<1x16xf32> to vector<16xf32>
        %swap3A_379 = vector.shape_cast %add3A_374 : vector<16xf32> to vector<1x16xf32>
        tpu.vector_store %arg11[%swap3A_375, %swap3A_376], %swap3A_379 {strides = array<i32>} : memref<48x512xf32, #tpu.memory_space<vmem>>, vector<1x16xf32>,
        %get3A_380 = arith.index_cast %scan3A_115 : i32 to index
        %get3A_381 = arith.constant 304 : index
        %get3A_382 = tpu.vector_load %arg11[%get3A_380, %get3A_381] {strides = array<i32>} : memref<48x512xf32, #tpu.memory_space<vmem>>, vector<1x16xf32>,
        %get3A_383 = vector.shape_cast %get3A_382 : vector<1x16xf32> to vector<16xf32>
        %get3A_384 = arith.index_cast %scan3A_115 : i32 to index
        %get3A_385 = arith.constant 304 : index
        %get3A_386 = tpu.vector_load %arg12[%get3A_384, %get3A_385] {strides = array<i32>} : memref<48x512xf32, #tpu.memory_space<vmem>>, vector<1x16xf32>,
        %get3A_387 = vector.shape_cast %get3A_386 : vector<1x16xf32> to vector<16xf32>
        %add3A_388 = arith.addf %get3A_383, %get3A_387 : vector<16xf32>
        %swap3A_389 = arith.index_cast %scan3A_115 : i32 to index
        %swap3A_390 = arith.constant 304 : index
        %swap3A_391 = tpu.vector_load %arg11[%swap3A_389, %swap3A_390] {strides = array<i32>} : memref<48x512xf32, #tpu.memory_space<vmem>>, vector<1x16xf32>,
        %swap3A_392 = vector.shape_cast %swap3A_391 : vector<1x16xf32> to vector<16xf32>
        %swap3A_393 = vector.shape_cast %add3A_388 : vector<16xf32> to vector<1x16xf32>
        tpu.vector_store %arg11[%swap3A_389, %swap3A_390], %swap3A_393 {strides = array<i32>} : memref<48x512xf32, #tpu.memory_space<vmem>>, vector<1x16xf32>,
        %get3A_394 = arith.index_cast %scan3A_115 : i32 to index
        %get3A_395 = arith.constant 320 : index
        %get3A_396 = tpu.vector_load %arg11[%get3A_394, %get3A_395] {strides = array<i32>} : memref<48x512xf32, #tpu.memory_space<vmem>>, vector<1x16xf32>,
        %get3A_397 = vector.shape_cast %get3A_396 : vector<1x16xf32> to vector<16xf32>
        %get3A_398 = arith.index_cast %scan3A_115 : i32 to index
        %get3A_399 = arith.constant 320 : index
        %get3A_400 = tpu.vector_load %arg12[%get3A_398, %get3A_399] {strides = array<i32>} : memref<48x512xf32, #tpu.memory_space<vmem>>, vector<1x16xf32>,
        %get3A_401 = vector.shape_cast %get3A_400 : vector<1x16xf32> to vector<16xf32>
        %add3A_402 = arith.addf %get3A_397, %get3A_401 : vector<16xf32>
        %swap3A_403 = arith.index_cast %scan3A_115 : i32 to index
        %swap3A_404 = arith.constant 320 : index
        %swap3A_405 = tpu.vector_load %arg11[%swap3A_403, %swap3A_404] {strides = array<i32>} : memref<48x512xf32, #tpu.memory_space<vmem>>, vector<1x16xf32>,
        %swap3A_406 = vector.shape_cast %swap3A_405 : vector<1x16xf32> to vector<16xf32>
        %swap3A_407 = vector.shape_cast %add3A_402 : vector<16xf32> to vector<1x16xf32>
        tpu.vector_store %arg11[%swap3A_403, %swap3A_404], %swap3A_407 {strides = array<i32>} : memref<48x512xf32, #tpu.memory_space<vmem>>, vector<1x16xf32>,
        %get3A_408 = arith.index_cast %scan3A_115 : i32 to index
        %get3A_409 = arith.constant 336 : index
        %get3A_410 = tpu.vector_load %arg11[%get3A_408, %get3A_409] {strides = array<i32>} : memref<48x512xf32, #tpu.memory_space<vmem>>, vector<1x16xf32>,
        %get3A_411 = vector.shape_cast %get3A_410 : vector<1x16xf32> to vector<16xf32>
        %get3A_412 = arith.index_cast %scan3A_115 : i32 to index
        %get3A_413 = arith.constant 336 : index
        %get3A_414 = tpu.vector_load %arg12[%get3A_412, %get3A_413] {strides = array<i32>} : memref<48x512xf32, #tpu.memory_space<vmem>>, vector<1x16xf32>,
        %get3A_415 = vector.shape_cast %get3A_414 : vector<1x16xf32> to vector<16xf32>
        %add3A_416 = arith.addf %get3A_411, %get3A_415 : vector<16xf32>
        %swap3A_417 = arith.index_cast %scan3A_115 : i32 to index
        %swap3A_418 = arith.constant 336 : index
        %swap3A_419 = tpu.vector_load %arg11[%swap3A_417, %swap3A_418] {strides = array<i32>} : memref<48x512xf32, #tpu.memory_space<vmem>>, vector<1x16xf32>,
        %swap3A_420 = vector.shape_cast %swap3A_419 : vector<1x16xf32> to vector<16xf32>
        %swap3A_421 = vector.shape_cast %add3A_416 : vector<16xf32> to vector<1x16xf32>
        tpu.vector_store %arg11[%swap3A_417, %swap3A_418], %swap3A_421 {strides = array<i32>} : memref<48x512xf32, #tpu.memory_space<vmem>>, vector<1x16xf32>,
        %get3A_422 = arith.index_cast %scan3A_115 : i32 to index
        %get3A_423 = arith.constant 352 : index
        %get3A_424 = tpu.vector_load %arg11[%get3A_422, %get3A_423] {strides = array<i32>} : memref<48x512xf32, #tpu.memory_space<vmem>>, vector<1x16xf32>,
        %get3A_425 = vector.shape_cast %get3A_424 : vector<1x16xf32> to vector<16xf32>
        %get3A_426 = arith.index_cast %scan3A_115 : i32 to index
        %get3A_427 = arith.constant 352 : index
        %get3A_428 = tpu.vector_load %arg12[%get3A_426, %get3A_427] {strides = array<i32>} : memref<48x512xf32, #tpu.memory_space<vmem>>, vector<1x16xf32>,
        %get3A_429 = vector.shape_cast %get3A_428 : vector<1x16xf32> to vector<16xf32>
        %add3A_430 = arith.addf %get3A_425, %get3A_429 : vector<16xf32>
        %swap3A_431 = arith.index_cast %scan3A_115 : i32 to index
        %swap3A_432 = arith.constant 352 : index
        %swap3A_433 = tpu.vector_load %arg11[%swap3A_431, %swap3A_432] {strides = array<i32>} : memref<48x512xf32, #tpu.memory_space<vmem>>, vector<1x16xf32>,
        %swap3A_434 = vector.shape_cast %swap3A_433 : vector<1x16xf32> to vector<16xf32>
        %swap3A_435 = vector.shape_cast %add3A_430 : vector<16xf32> to vector<1x16xf32>
        tpu.vector_store %arg11[%swap3A_431, %swap3A_432], %swap3A_435 {strides = array<i32>} : memref<48x512xf32, #tpu.memory_space<vmem>>, vector<1x16xf32>,
        %get3A_436 = arith.index_cast %scan3A_115 : i32 to index
        %get3A_437 = arith.constant 368 : index
        %get3A_438 = tpu.vector_load %arg11[%get3A_436, %get3A_437] {strides = array<i32>} : memref<48x512xf32, #tpu.memory_space<vmem>>, vector<1x16xf32>,
        %get3A_439 = vector.shape_cast %get3A_438 : vector<1x16xf32> to vector<16xf32>
        %get3A_440 = arith.index_cast %scan3A_115 : i32 to index
        %get3A_441 = arith.constant 368 : index
        %get3A_442 = tpu.vector_load %arg12[%get3A_440, %get3A_441] {strides = array<i32>} : memref<48x512xf32, #tpu.memory_space<vmem>>, vector<1x16xf32>,
        %get3A_443 = vector.shape_cast %get3A_442 : vector<1x16xf32> to vector<16xf32>
        %add3A_444 = arith.addf %get3A_439, %get3A_443 : vector<16xf32>
        %swap3A_445 = arith.index_cast %scan3A_115 : i32 to index
        %swap3A_446 = arith.constant 368 : index
        %swap3A_447 = tpu.vector_load %arg11[%swap3A_445, %swap3A_446] {strides = array<i32>} : memref<48x512xf32, #tpu.memory_space<vmem>>, vector<1x16xf32>,
        %swap3A_448 = vector.shape_cast %swap3A_447 : vector<1x16xf32> to vector<16xf32>
        %swap3A_449 = vector.shape_cast %add3A_444 : vector<16xf32> to vector<1x16xf32>
        tpu.vector_store %arg11[%swap3A_445, %swap3A_446], %swap3A_449 {strides = array<i32>} : memref<48x512xf32, #tpu.memory_space<vmem>>, vector<1x16xf32>,
        %get3A_450 = arith.index_cast %scan3A_115 : i32 to index
        %get3A_451 = arith.constant 384 : index
        %get3A_452 = tpu.vector_load %arg11[%get3A_450, %get3A_451] {strides = array<i32>} : memref<48x512xf32, #tpu.memory_space<vmem>>, vector<1x16xf32>,
        %get3A_453 = vector.shape_cast %get3A_452 : vector<1x16xf32> to vector<16xf32>
        %get3A_454 = arith.index_cast %scan3A_115 : i32 to index
        %get3A_455 = arith.constant 384 : index
        %get3A_456 = tpu.vector_load %arg12[%get3A_454, %get3A_455] {strides = array<i32>} : memref<48x512xf32, #tpu.memory_space<vmem>>, vector<1x16xf32>,
        %get3A_457 = vector.shape_cast %get3A_456 : vector<1x16xf32> to vector<16xf32>
        %add3A_458 = arith.addf %get3A_453, %get3A_457 : vector<16xf32>
        %swap3A_459 = arith.index_cast %scan3A_115 : i32 to index
        %swap3A_460 = arith.constant 384 : index
        %swap3A_461 = tpu.vector_load %arg11[%swap3A_459, %swap3A_460] {strides = array<i32>} : memref<48x512xf32, #tpu.memory_space<vmem>>, vector<1x16xf32>,
        %swap3A_462 = vector.shape_cast %swap3A_461 : vector<1x16xf32> to vector<16xf32>
        %swap3A_463 = vector.shape_cast %add3A_458 : vector<16xf32> to vector<1x16xf32>
        tpu.vector_store %arg11[%swap3A_459, %swap3A_460], %swap3A_463 {strides = array<i32>} : memref<48x512xf32, #tpu.memory_space<vmem>>, vector<1x16xf32>,
        %get3A_464 = arith.index_cast %scan3A_115 : i32 to index
        %get3A_465 = arith.constant 400 : index
        %get3A_466 = tpu.vector_load %arg11[%get3A_464, %get3A_465] {strides = array<i32>} : memref<48x512xf32, #tpu.memory_space<vmem>>, vector<1x16xf32>,
        %get3A_467 = vector.shape_cast %get3A_466 : vector<1x16xf32> to vector<16xf32>
        %get3A_468 = arith.index_cast %scan3A_115 : i32 to index
        %get3A_469 = arith.constant 400 : index
        %get3A_470 = tpu.vector_load %arg12[%get3A_468, %get3A_469] {strides = array<i32>} : memref<48x512xf32, #tpu.memory_space<vmem>>, vector<1x16xf32>,
        %get3A_471 = vector.shape_cast %get3A_470 : vector<1x16xf32> to vector<16xf32>
        %add3A_472 = arith.addf %get3A_467, %get3A_471 : vector<16xf32>
        %swap3A_473 = arith.index_cast %scan3A_115 : i32 to index
        %swap3A_474 = arith.constant 400 : index
        %swap3A_475 = tpu.vector_load %arg11[%swap3A_473, %swap3A_474] {strides = array<i32>} : memref<48x512xf32, #tpu.memory_space<vmem>>, vector<1x16xf32>,
        %swap3A_476 = vector.shape_cast %swap3A_475 : vector<1x16xf32> to vector<16xf32>
        %swap3A_477 = vector.shape_cast %add3A_472 : vector<16xf32> to vector<1x16xf32>
        tpu.vector_store %arg11[%swap3A_473, %swap3A_474], %swap3A_477 {strides = array<i32>} : memref<48x512xf32, #tpu.memory_space<vmem>>, vector<1x16xf32>,
        %get3A_478 = arith.index_cast %scan3A_115 : i32 to index
        %get3A_479 = arith.constant 416 : index
        %get3A_480 = tpu.vector_load %arg11[%get3A_478, %get3A_479] {strides = array<i32>} : memref<48x512xf32, #tpu.memory_space<vmem>>, vector<1x16xf32>,
        %get3A_481 = vector.shape_cast %get3A_480 : vector<1x16xf32> to vector<16xf32>
        %get3A_482 = arith.index_cast %scan3A_115 : i32 to index
        %get3A_483 = arith.constant 416 : index
        %get3A_484 = tpu.vector_load %arg12[%get3A_482, %get3A_483] {strides = array<i32>} : memref<48x512xf32, #tpu.memory_space<vmem>>, vector<1x16xf32>,
        %get3A_485 = vector.shape_cast %get3A_484 : vector<1x16xf32> to vector<16xf32>
        %add3A_486 = arith.addf %get3A_481, %get3A_485 : vector<16xf32>
        %swap3A_487 = arith.index_cast %scan3A_115 : i32 to index
        %swap3A_488 = arith.constant 416 : index
        %swap3A_489 = tpu.vector_load %arg11[%swap3A_487, %swap3A_488] {strides = array<i32>} : memref<48x512xf32, #tpu.memory_space<vmem>>, vector<1x16xf32>,
        %swap3A_490 = vector.shape_cast %swap3A_489 : vector<1x16xf32> to vector<16xf32>
        %swap3A_491 = vector.shape_cast %add3A_486 : vector<16xf32> to vector<1x16xf32>
        tpu.vector_store %arg11[%swap3A_487, %swap3A_488], %swap3A_491 {strides = array<i32>} : memref<48x512xf32, #tpu.memory_space<vmem>>, vector<1x16xf32>,
        %get3A_492 = arith.index_cast %scan3A_115 : i32 to index
        %get3A_493 = arith.constant 432 : index
        %get3A_494 = tpu.vector_load %arg11[%get3A_492, %get3A_493] {strides = array<i32>} : memref<48x512xf32, #tpu.memory_space<vmem>>, vector<1x16xf32>,
        %get3A_495 = vector.shape_cast %get3A_494 : vector<1x16xf32> to vector<16xf32>
        %get3A_496 = arith.index_cast %scan3A_115 : i32 to index
        %get3A_497 = arith.constant 432 : index
        %get3A_498 = tpu.vector_load %arg12[%get3A_496, %get3A_497] {strides = array<i32>} : memref<48x512xf32, #tpu.memory_space<vmem>>, vector<1x16xf32>,
        %get3A_499 = vector.shape_cast %get3A_498 : vector<1x16xf32> to vector<16xf32>
        %add3A_500 = arith.addf %get3A_495, %get3A_499 : vector<16xf32>
        %swap3A_501 = arith.index_cast %scan3A_115 : i32 to index
        %swap3A_502 = arith.constant 432 : index
        %swap3A_503 = tpu.vector_load %arg11[%swap3A_501, %swap3A_502] {strides = array<i32>} : memref<48x512xf32, #tpu.memory_space<vmem>>, vector<1x16xf32>,
        %swap3A_504 = vector.shape_cast %swap3A_503 : vector<1x16xf32> to vector<16xf32>
        %swap3A_505 = vector.shape_cast %add3A_500 : vector<16xf32> to vector<1x16xf32>
        tpu.vector_store %arg11[%swap3A_501, %swap3A_502], %swap3A_505 {strides = array<i32>} : memref<48x512xf32, #tpu.memory_space<vmem>>, vector<1x16xf32>,
        %get3A_506 = arith.index_cast %scan3A_115 : i32 to index
        %get3A_507 = arith.constant 448 : index
        %get3A_508 = tpu.vector_load %arg11[%get3A_506, %get3A_507] {strides = array<i32>} : memref<48x512xf32, #tpu.memory_space<vmem>>, vector<1x16xf32>,
        %get3A_509 = vector.shape_cast %get3A_508 : vector<1x16xf32> to vector<16xf32>
        %get3A_510 = arith.index_cast %scan3A_115 : i32 to index
        %get3A_511 = arith.constant 448 : index
        %get3A_512 = tpu.vector_load %arg12[%get3A_510, %get3A_511] {strides = array<i32>} : memref<48x512xf32, #tpu.memory_space<vmem>>, vector<1x16xf32>,
        %get3A_513 = vector.shape_cast %get3A_512 : vector<1x16xf32> to vector<16xf32>
        %add3A_514 = arith.addf %get3A_509, %get3A_513 : vector<16xf32>
        %swap3A_515 = arith.index_cast %scan3A_115 : i32 to index
        %swap3A_516 = arith.constant 448 : index
        %swap3A_517 = tpu.vector_load %arg11[%swap3A_515, %swap3A_516] {strides = array<i32>} : memref<48x512xf32, #tpu.memory_space<vmem>>, vector<1x16xf32>,
        %swap3A_518 = vector.shape_cast %swap3A_517 : vector<1x16xf32> to vector<16xf32>
        %swap3A_519 = vector.shape_cast %add3A_514 : vector<16xf32> to vector<1x16xf32>
        tpu.vector_store %arg11[%swap3A_515, %swap3A_516], %swap3A_519 {strides = array<i32>} : memref<48x512xf32, #tpu.memory_space<vmem>>, vector<1x16xf32>,
        %get3A_520 = arith.index_cast %scan3A_115 : i32 to index
        %get3A_521 = arith.constant 464 : index
        %get3A_522 = tpu.vector_load %arg11[%get3A_520, %get3A_521] {strides = array<i32>} : memref<48x512xf32, #tpu.memory_space<vmem>>, vector<1x16xf32>,
        %get3A_523 = vector.shape_cast %get3A_522 : vector<1x16xf32> to vector<16xf32>
        %get3A_524 = arith.index_cast %scan3A_115 : i32 to index
        %get3A_525 = arith.constant 464 : index
        %get3A_526 = tpu.vector_load %arg12[%get3A_524, %get3A_525] {strides = array<i32>} : memref<48x512xf32, #tpu.memory_space<vmem>>, vector<1x16xf32>,
        %get3A_527 = vector.shape_cast %get3A_526 : vector<1x16xf32> to vector<16xf32>
        %add3A_528 = arith.addf %get3A_523, %get3A_527 : vector<16xf32>
        %swap3A_529 = arith.index_cast %scan3A_115 : i32 to index
        %swap3A_530 = arith.constant 464 : index
        %swap3A_531 = tpu.vector_load %arg11[%swap3A_529, %swap3A_530] {strides = array<i32>} : memref<48x512xf32, #tpu.memory_space<vmem>>, vector<1x16xf32>,
        %swap3A_532 = vector.shape_cast %swap3A_531 : vector<1x16xf32> to vector<16xf32>
        %swap3A_533 = vector.shape_cast %add3A_528 : vector<16xf32> to vector<1x16xf32>
        tpu.vector_store %arg11[%swap3A_529, %swap3A_530], %swap3A_533 {strides = array<i32>} : memref<48x512xf32, #tpu.memory_space<vmem>>, vector<1x16xf32>,
        %get3A_534 = arith.index_cast %scan3A_115 : i32 to index
        %get3A_535 = arith.constant 480 : index
        %get3A_536 = tpu.vector_load %arg11[%get3A_534, %get3A_535] {strides = array<i32>} : memref<48x512xf32, #tpu.memory_space<vmem>>, vector<1x16xf32>,
        %get3A_537 = vector.shape_cast %get3A_536 : vector<1x16xf32> to vector<16xf32>
        %get3A_538 = arith.index_cast %scan3A_115 : i32 to index
        %get3A_539 = arith.constant 480 : index
        %get3A_540 = tpu.vector_load %arg12[%get3A_538, %get3A_539] {strides = array<i32>} : memref<48x512xf32, #tpu.memory_space<vmem>>, vector<1x16xf32>,
        %get3A_541 = vector.shape_cast %get3A_540 : vector<1x16xf32> to vector<16xf32>
        %add3A_542 = arith.addf %get3A_537, %get3A_541 : vector<16xf32>
        %swap3A_543 = arith.index_cast %scan3A_115 : i32 to index
        %swap3A_544 = arith.constant 480 : index
        %swap3A_545 = tpu.vector_load %arg11[%swap3A_543, %swap3A_544] {strides = array<i32>} : memref<48x512xf32, #tpu.memory_space<vmem>>, vector<1x16xf32>,
        %swap3A_546 = vector.shape_cast %swap3A_545 : vector<1x16xf32> to vector<16xf32>
        %swap3A_547 = vector.shape_cast %add3A_542 : vector<16xf32> to vector<1x16xf32>
        tpu.vector_store %arg11[%swap3A_543, %swap3A_544], %swap3A_547 {strides = array<i32>} : memref<48x512xf32, #tpu.memory_space<vmem>>, vector<1x16xf32>,
        %get3A_548 = arith.index_cast %scan3A_115 : i32 to index
        %get3A_549 = arith.constant 496 : index
        %get3A_550 = tpu.vector_load %arg11[%get3A_548, %get3A_549] {strides = array<i32>} : memref<48x512xf32, #tpu.memory_space<vmem>>, vector<1x16xf32>,
        %get3A_551 = vector.shape_cast %get3A_550 : vector<1x16xf32> to vector<16xf32>
        %get3A_552 = arith.index_cast %scan3A_115 : i32 to index
        %get3A_553 = arith.constant 496 : index
        %get3A_554 = tpu.vector_load %arg12[%get3A_552, %get3A_553] {strides = array<i32>} : memref<48x512xf32, #tpu.memory_space<vmem>>, vector<1x16xf32>,
        %get3A_555 = vector.shape_cast %get3A_554 : vector<1x16xf32> to vector<16xf32>
        %add3A_556 = arith.addf %get3A_551, %get3A_555 : vector<16xf32>
        %swap3A_557 = arith.index_cast %scan3A_115 : i32 to index
        %swap3A_558 = arith.constant 496 : index
        %swap3A_559 = tpu.vector_load %arg11[%swap3A_557, %swap3A_558] {strides = array<i32>} : memref<48x512xf32, #tpu.memory_space<vmem>>, vector<1x16xf32>,
        %swap3A_560 = vector.shape_cast %swap3A_559 : vector<1x16xf32> to vector<16xf32>
        %swap3A_561 = vector.shape_cast %add3A_556 : vector<16xf32> to vector<1x16xf32>
        tpu.vector_store %arg11[%swap3A_557, %swap3A_558], %swap3A_561 {strides = array<i32>} : memref<48x512xf32, #tpu.memory_space<vmem>>, vector<1x16xf32>,
      }
      %scan3A_106 = arith.constant 48 : i32
      %mul3A_107 = arith.constant 48 : i32
      %mul3A_108 = arith.muli %add3A_47, %mul3A_107 : i32
      %add3A_109 = arith.addi %mul3A_2, %mul3A_108 : i32
      %multiple_of3A_110 = tpu.assume_multiple %add3A_109, 48 : i32
      %dma_start3A_111 = arith.constant 0 : i32
      %dma_start3A_112 = tpu.memref_slice %arg6[%multiple_of3A_110, %dma_start3A_111] : memref<76800x512xf32, #tpu.memory_space<hbm>> -> memref<48x512xf32, #tpu.memory_space<hbm>>
      %dma_start3A_113 = arith.constant 0 : i32
      %dma_start3A_114 = tpu.memref_slice %arg6[%multiple_of3A_110, %dma_start3A_113] : memref<76800x512xf32, #tpu.memory_space<hbm>> -> memref<48x512xf32, #tpu.memory_space<hbm>>
      tpu.enqueue_dma source(%arg11 : memref<48x512xf32, #tpu.memory_space<vmem>>) target(%dma_start3A_114 : memref<48x512xf32, #tpu.memory_space<hbm>>) target_semaphore(%arg19 : memref<!tpu.dma_semaphore, #tpu.memory_space<semaphore_mem>>)
    }
    %scan3A_29 = arith.constant 25 : i32
    %add3A_30 = arith.constant 2304 : i32
    %add3A_31 = arith.addi %mul3A_2, %add3A_30 : i32
    %multiple_of3A_32 = tpu.assume_multiple %add3A_31, 48 : i32
    %dma_wait3A = arith.constant 0 : i32
    %dma_wait3A_33 = tpu.memref_slice %arg6[%multiple_of3A_32, %dma_wait3A] : memref<76800x512xf32, #tpu.memory_space<hbm>> -> memref<48x512xf32, #tpu.memory_space<hbm>>
    %dma_wait3A_34 = arith.constant 0 : i32
    %dma_wait3A_35 = tpu.memref_slice %arg6[%multiple_of3A_32, %dma_wait3A_34] : memref<76800x512xf32, #tpu.memory_space<hbm>> -> memref<48x512xf32, #tpu.memory_space<hbm>>
    tpu.wait_dma2 semaphore(%arg18 : memref<!tpu.dma_semaphore, #tpu.memory_space<semaphore_mem>>) src(%arg9 : memref<48x512xf32, #tpu.memory_space<vmem>>) dst(%dma_wait3A_35 : memref<48x512xf32, #tpu.memory_space<hbm>>)
    %add3A_36 = arith.constant 2352 : i32
    %add3A_37 = arith.addi %mul3A_2, %add3A_36 : i32
    %multiple_of3A_38 = tpu.assume_multiple %add3A_37, 48 : i32
    %dma_wait3A_39 = arith.constant 0 : i32
    %dma_wait3A_40 = tpu.memref_slice %arg6[%multiple_of3A_38, %dma_wait3A_39] : memref<76800x512xf32, #tpu.memory_space<hbm>> -> memref<48x512xf32, #tpu.memory_space<hbm>>
    %dma_wait3A_41 = arith.constant 0 : i32
    %dma_wait3A_42 = tpu.memref_slice %arg6[%multiple_of3A_38, %dma_wait3A_41] : memref<76800x512xf32, #tpu.memory_space<hbm>> -> memref<48x512xf32, #tpu.memory_space<hbm>>
    tpu.wait_dma2 semaphore(%arg19 : memref<!tpu.dma_semaphore, #tpu.memory_space<semaphore_mem>>) src(%arg11 : memref<48x512xf32, #tpu.memory_space<vmem>>) dst(%dma_wait3A_42 : memref<48x512xf32, #tpu.memory_space<hbm>>)
    return
  }
}

</mosaic_0001>

<sc_bundles>
// kernel: kernel.3.cloned.1.call-start
scs
__scs_entry_jumppad:
0x0: {  	(pc) =	sbr.rel $0x88, $3  }
0x1: {  	(tag) =	ssettag $0x0;
	lr =	simm.s32 $0x1  }
0x2: {  	[smem:$0x3F9D] =	sst lr;
	_ =	strace $0xD0000000  }
0x3: {  	_ = 	snop  }
0x4: {  	_ = 	snop  }
0x5: {  	_ = 	snop  }
0x6: {  	_ = 	snop  }
0x7: {  	_ = 	snop  }
__scs_overlays_trampoline_lowered:
0x8: {  	[smem:$0x3FAC] =	sst s0  }
0x9: {  	[smem:$0x3FAD] =	sst s1  }
0xa: {  	[smem:$0x3FAE] =	sst s2  }
0xb: {  	[smem:$0x3FAF] =	sst s3  }
0xc: {  	[smem:$0x3FB0] =	sst s4  }
0xd: {  	[smem:$0x3FB1] =	sst s5  }
0xe: {  	[smem:$0x3FB2] =	sst s6  }
0xf: {  	[smem:$0x3FB3] =	sst s7  }
0x10: {  	[smem:$0x3FB4] =	sst s8  }
0x11: {  	[smem:$0x3FB5] =	sst s9;
	s0 =	simm.s32 @!p0 $0x0  }
0x12: {  	s1 =	sld [smem:$0x3F9B];
	s0 =	simm.s32 @p0 $0x1  }
0x13: {  	[smem:$0x3FB6] =	sst s0;
	s0 =	simm.s32 @!p1 $0x0  }
0x14: {  	s2 =	sld [smem:$0x3F9A];
	s0 =	simm.s32 @p1 $0x1  }
0x15: {  	[smem:$0x3FB7] =	sst s0;
	s0 =	simm.s32 @!p2 $0x0  }
0x16: {  	s3 =	sld [smem:$0x3FDB];
	s0 =	simm.s32 @p2 $0x1  }
0x17: {  	s4 =	simm.s32 $0x1BF5;
	[smem:$0x3FB9] =	sst s0  }
0x18: {  	s0 =	sld [smem:$0x3F9C];
	_ =	swait.ge [sflag:s4], $0x0  }
0x19: {  	s7 =	sld [smem:$0x3F9D]  }
0x1a: {  	s8 =	sadd.s32 $0xFFFFE003, lr  }
0x1b: {  	s9 =	sadd.s32 $0xFFFFFEF7, lr;
	s5 =	simm.s32 $0xFFFFFFFF;
	p2 =	slt.u32 s8, $0xFFFFF086  }
0x1c: {  	p1 =	slt.u32 s9, $0xF7A;
	s5 =	simm.s32 @!p2 $0x0  }
0x1d: {  	s5 =	simm.s32 @p1 $0x1;
	p0 =	seq.s32 s7, s2  }
0x1e: {  	s7 =	smul.u32 @!p0 $0xF7A, s2;
	p2 =	seq.s32 @!p0 s5, $0x0  }
0x1f: {  	s9 =	smul.u32 $0xF7A, s1;
	s8 =	simm.s32 @!p0 $0x1BF5;
	p2 =	por !p2, p0  }
0x20: {  	[sflag:s8] =	ssyncset.s32 @!p0 $0xFFFFF086;
	s6 =	sadd.s32 @!p0 s3, s7;
	s7 =	simm.s32 @!p0 $0x108  }
0x21: {  	s3 =	sadd.s32 s3, s9;
	s6 =	sadd.s32 @!p0 $0x88, s6;
	s7 =	simm.s32 @p2 $0x1082  }
0x22: {  	[simem:s7], [sflag:s8] =	dma.local @!p0 [hbm:s6], $0xF7A  }
0x23: {  	s9 =	sor.u32 $0xD0000000, s2;
	s6 =	simm.s32 $0x108;
	_ =	swait.ge @!p0 [sflag:s8], $0x0  }
0x24: {  	s3 =	sadd.s32 $0x88, s3;
	s6 =	simm.s32 @!p1 $0x1082;
	[sflag:s4] =	ssyncset.s32 $0xFFFFF086  }
0x25: {  	[simem:s6], [sflag:s4] =	dma.local [hbm:s3], $0xF7A  }
0x26: {  	[smem:$0x3F9D] =	sst s1;
	(tag) =	ssettag s2;
	_ =	strace s9  }
0x27: {  	s1 =	sld [smem:$0x3FAD]  }
0x28: {  	s2 =	sld [smem:$0x3FAE]  }
0x29: {  	s4 =	sld [smem:$0x3FB0]  }
0x2a: {  	p0 =	seq.s32 s5, $0x0;
	s5 =	sld [smem:$0x3FB1]  }
0x2b: {  	s6 =	sld [smem:$0x3FB2]  }
0x2c: {  	s7 =	sld [smem:$0x3FB3]  }
0x2d: {  	s3 =	simm.s32 $0x108;
	s8 =	sld [smem:$0x3FB4]  }
0x2e: {  	s3 =	simm.s32 @!p0 $0x1082;
	s9 =	sld [smem:$0x3FB5]  }
0x2f: {  	lr =	sadd.s32 s0, s3;
	s0 =	sld [smem:$0x3FAC]  }
0x30: {  	s3 =	sld [smem:$0x3FAF]  }
0x31: {  	[smem:$0x3FB8] =	sst s10  }
0x32: {  	s10 =	sld [smem:$0x3FB6];
	_ =	sdelay $0x3  }
0x33: {  	p0 =	seq.s32 s10, $0x1;
	s10 =	sld [smem:$0x3FB8];
	_ =	sdelay $0x3  }
0x34: {  	[smem:$0x3FB8] =	sst s10  }
0x35: {  	s10 =	sld [smem:$0x3FB7];
	_ =	sdelay $0x3  }
0x36: {  	p1 =	seq.s32 s10, $0x1;
	s10 =	sld [smem:$0x3FB8];
	_ =	sdelay $0x3  }
0x37: {  	[smem:$0x3FB8] =	sst s10  }
0x38: {  	s10 =	sld [smem:$0x3FB9]  }
0x39: {  	_ = 	snop;
	(pc) =	sbr.ind lr, $3  }
0x3a: {  	_ = 	snop  }
0x3b: {  	_ = 	snop  }
0x3c: {  	p2 =	seq.s32 s10, $0x1;
	s10 =	sld [smem:$0x3FB8]  }
0x3d: {  	_ =	shalt  }
0x3e: {  	_ =	shalt  }
0x3f: {  	_ =	shalt  }
0x40: {  	_ =	shalt  }
0x41: {  	_ =	shalt  }
0x42: {  	_ =	shalt  }
0x43: {  	_ =	shalt  }
0x44: {  	_ =	shalt  }
0x45: {  	_ =	shalt  }
0x46: {  	_ =	shalt  }
0x47: {  	_ =	shalt  }
0x48: {  	_ =	shalt  }
0x49: {  	_ =	shalt  }
0x4a: {  	_ =	shalt  }
0x4b: {  	_ =	shalt  }
0x4c: {  	_ =	shalt  }
0x4d: {  	_ =	shalt  }
0x4e: {  	_ =	shalt  }
0x4f: {  	_ =	shalt  }
0x50: {  	_ =	shalt  }
0x51: {  	_ =	shalt  }
0x52: {  	_ =	shalt  }
0x53: {  	_ =	shalt  }
0x54: {  	_ =	shalt  }
0x55: {  	_ =	shalt  }
0x56: {  	_ =	shalt  }
0x57: {  	_ =	shalt  }
0x58: {  	_ =	shalt  }
0x59: {  	_ =	shalt  }
0x5a: {  	_ =	shalt  }
0x5b: {  	_ =	shalt  }
0x5c: {  	_ =	shalt  }
0x5d: {  	_ =	shalt  }
0x5e: {  	_ =	shalt  }
0x5f: {  	_ =	shalt  }
0x60: {  	_ =	shalt  }
0x61: {  	_ =	shalt  }
0x62: {  	_ =	shalt  }
0x63: {  	_ =	shalt  }
0x64: {  	_ =	shalt  }
0x65: {  	_ =	shalt  }
0x66: {  	_ =	shalt  }
0x67: {  	_ =	shalt  }
0x68: {  	_ =	shalt  }
0x69: {  	_ =	shalt  }
0x6a: {  	_ =	shalt  }
0x6b: {  	_ =	shalt  }
0x6c: {  	_ =	shalt  }
0x6d: {  	_ =	shalt  }
0x6e: {  	_ =	shalt  }
0x6f: {  	_ =	shalt  }
0x70: {  	_ =	shalt  }
0x71: {  	_ =	shalt  }
0x72: {  	_ =	shalt  }
0x73: {  	_ =	shalt  }
0x74: {  	_ =	shalt  }
0x75: {  	_ =	shalt  }
0x76: {  	_ =	shalt  }
0x77: {  	_ =	shalt  }
0x78: {  	_ =	shalt  }
0x79: {  	_ =	shalt  }
0x7a: {  	_ =	shalt  }
0x7b: {  	_ =	shalt  }
0x7c: {  	_ =	shalt  }
0x7d: {  	_ =	shalt  }
0x7e: {  	_ =	shalt  }
0x7f: {  	_ =	shalt  }
0x80: {  	_ =	shalt  }
0x81: {  	_ =	shalt  }
0x82: {  	_ =	shalt  }
0x83: {  	_ =	shalt  }
0x84: {  	_ =	shalt  }
0x85: {  	_ =	shalt  }
0x86: {  	_ =	shalt  }
0x87: {  	_ =	shalt  }
.Lfunc_end0:
.L_simem_size_0:
called_computation_lowered:
.L_overlay_start_0:
0x88: {  	s2 =	sld [smem:$0x3FD9]  }
0x89: {  	s3 =	sld [smem:$0x3FFE];
	_ =	sdelay $0x1  }
0x8a: {  	s1 =	srdreg.scid  }
0x8b: {  	s0 =	sand.u32 $0x1, s1  }
0x8c: {  	s18 =	sshll.u32 s0, $0xA;
	s2 =	sadd.s32 s3, s2  }
0x8d: {  	s3 =	sadd.s32 s2, s18  }
0x8e: {  	[smem:$0x3FC4] =	sst s3  }
0x8f: {  	_ = 	snop  }
0x90: {  	s3 =	sld [smem:$0x3FC7]  }
0x91: {  	s4 =	sld [smem:$0x3FD0];
	(tm) =	ssettm $0x1  }
0x92: {  	s5 =	sld [smem:$0x3FFB];
	_ =	sdelay $0x3  }
0x93: {  	_ =	strace s5  }
0x94: {  	s5 =	sld [smem:$0x3FFC];
	_ =	sdelay $0x3  }
0x95: {  	_ =	strace s5  }
0x96: {  	s5 =	sld [smem:$0x3FFD];
	_ =	sdelay $0x3  }
0x97: {  	_ =	strace s5  }
0x98: {  	_ =	strace $0x8FFFFFFF  }
0x99: {  	s19 =	sld [smem:$0x3FDB];
	_ =	sdelay $0x1  }
0x9a: {  	s6 =	simm.s32 $_scs_section_size  }
0x9b: {  	s7 =	simm.s32 $_size__tile_overlayer_lowered;
	s8 =	simm.s32 $_tile_overlayer_lowered  }
0x9c: {  	s22 =	simm.s32 $0x1BFF;
	s21 =	sshll.u32 s8, $0x1;
	s5 =	sadd.s32 s6, s19  }
0x9d: {  	s9 =	simm.s32 $0x0;
	s20 =	sshll.u32 s7, $0x1;
	s7 =	sadd.s32 s21, s5  }
0x9e: {  	[timem:s9], [sflag:s22] =	dma.local [hbm:s7], s20  }
0x9f: {  	_ =	swait.ge [sflag:s22], s20  }
0xa0: {  	s6 =	ssub.s32 $0x0, s20;
	[sflag:s22] =	ssyncset.done $0x0  }
0xa1: {  	[sflag:s22] =	ssyncadd.s32 s6;
	_ =	sdelay $0x1  }
0xa2: {  	s23 =	simm.s32 $0x1B8B  }
0xa3: {  	_ =	swait.ge [sflag:s23], $0x1  }
0xa4: {  	[sflag:s23] =	ssyncset.done $0x0  }
0xa5: {  	s25 =	simm.s32 $0x1B8E;
	s24 =	sld [smem:$0x3FFE];
	[sflag:s23] =	ssyncadd.s32 $0xFFFFFFFF  }
0xa6: {  	s26 =	simm.s32 $execute0_lowered;
	[smem:$0x3FD2] =	sst s25  }
0xa7: {  	s7 =	sshll.u32 s26, $0x1;
	_ =	strace $0x80000046;
	[dreg:$0x1] =	wrdreg $0xFFFFFFFF  }
0xa8: {  	s28 =	simm.s32 $_size_execute0_lowered;
	s5 =	sadd.s32 s5, s7;
	[dreg:$0x0] =	wrdreg $0x0  }
0xa9: {  	s7 =	sshll.u32 s28, $0x1;
	[dreg:$0x2] =	wrdreg s5  }
0xaa: {  	[dreg:$0x3] =	wrdreg s7  }
0xab: {  	[dreg:$0x4] =	wrdreg $0xC0  }
0xac: {  	_ =	task [dreg:s9], $0x5FFFF  }
0xad: {  	[dreg:$0x1] =	wrdreg $0xFFFFFFFF  }
0xae: {  	[dreg:$0x0] =	wrdreg $0x60  }
0xaf: {  	[dreg:$0x2] =	wrdreg s24  }
0xb0: {  	[dreg:$0x3] =	wrdreg s3  }
0xb1: {  	s2 =	sadd.s32 $0x800, s2;
	[dreg:$0x4] =	wrdreg s4  }
0xb2: {  	[dreg:$0x5] =	wrdreg s2  }
0xb3: {  	[dreg:$0x6] =	wrdreg $0x9  }
0xb4: {  	_ =	task.clear_ibuf [dreg:s9], $0x7FFFF;
	_ =	strace $0x90000046  }
0xb5: {  	s29 =	simm.s32 $0x9;
	_ =	strace $0x80000048  }
0xb6: {  	_ =	swait.ge [sflag:s29], $0x1  }
0xb7: {  	[sflag:s29] =	ssyncadd.s32 $0xFFFFFFFF  }
0xb8: {  	_ =	strace $0x90000048  }
0xb9: {  	_ =	sfence  }
0xba: {  	s30 =	sld [smem:$0x0];
	_ =	sdelay $0x2  }
0xbb: {  	s31 =	sshll.u32 s1, $0xD;
	s1 =	sshrl.u32 s1, $0x2  }
0xbc: {  	s3 =	sand.u32 $0x4000, s31;
	s1 =	sadd.s32 s1, s30  }
0xbd: {  	s0 =	sor.u32 s3, s0;
	s1 =	sshll.u32 s1, $0x11  }
0xbe: {  	s0 =	sor.u32 s1, s0  }
0xbf: {  	s0 =	sadd.s32 $0x8F2B, s0  }
0xc0: {  	[sflag:s0] =	ssyncadd.remote.s32 $0x1  }
0xc1: {  	_ =	sfence.sel $0xFFFF  }
0xc2: {  	[dreg:$0x0] =	wrdreg $0xFFFFFFFF;
	(pc) =	sbr.abs _section_cstart, $3  }
0xc3: {  	[dreg:$0x1] =	wrdreg $0xFFFFFFFF  }
0xc4: {  	_ =	task.clear_ibuf [dreg:s9], $0x2FFFF;
	_ =	strace $0x9FFFFFFF  }
0xc5: {  	(tm) =	ssettm $0x7FFFFFFF  }
tec
execute0_lowered:
.L_overlay_start_1:
0x0: {  	(tag) =	ssettag $0x1  }
0x1: {  	s2 =	rddreg [dreg:$0x0]  }
0x2: {  	s1 =	rddreg [dreg:$0x1]  }
0x3: {  	s3 =	rddreg [dreg:$0x2];
	s0 =	srdreg.scid  }
0x4: {  	s5 =	stileid.u32;
	s4 =	rddreg [dreg:$0x3];
	s18 =	simm.s32 $0x1300  }
0x5: {  	s19 =	simm.s32 $0xD300;
	s12 =	simm.s32 $0x16B00;
	s15 =	simm.s32 $0x17300  }
0x6: {  	s16 =	simm.s32 $0x17B00;
	s14 =	simm.s32 $0x18300;
	s13 =	simm.s32 $0x18B00  }
0x7: {  	s20 =	simm.s32 $0x1;
	s21 =	simm.s32 $0x2;
	s22 =	simm.s32 $0x3  }
0x8: {  	s23 =	simm.s32 $0x4;
	s0 =	sand.u32 $0x1, s0;
	s6 =	sshll.u32 s5, $0x1  }
0x9: {  	s24 =	simm.s32 $0x5;
	s25 =	simm.s32 $0x0;
	s7 =	sor.u32 s0, s6  }
0xa: {  	s5 =	simm.s32 $0x0;
	s10 =	sadd.s32 $0x5000, s2;
	s6 =	smul.u32 $0x960, s7  }
0xb: {  	[smem:$0x7FF] =	sst s5;
	s0 =	ssub.s32 $0x2, s0;
	s9 =	smul.u32 $0x7000, s7  }
0xc: {  	_ =	strace $0x80000047;
	s26 =	sshrl.u32 s0, $0x1;
	s28 =	smul.u32 $0x38, s7  }
0xd: {  	[dreg:$0x5] =	wrdreg s10;
	s7 =	smul.u32 $0xE00, s7;
	s10 =	ssub.s32 s0, s26  }
0xe: {  	s11 =	sadd.s32 $0x100, s1;
	s8 =	sshrl.u32 s6, $0x3;
	s31 =	smax.u32 s10, $0x1  }
0xf: {  	s9 =	sshrl.u32 s9, $0x3;
	s7 =	sadd.s32 s7, s4;
	[dreg:$0x9] =	wrdreg s31  }
0x10: {  	s8 =	sadd.s32 s8, s2;
	s2 =	sadd.s32 $0x5C00, s2;
	[dreg:$0xa] =	wrdreg s7  }
0x11: {  	s10 =	simm.s32 $0x16300;
	[dreg:$0x6] =	wrdreg s2;
	s30 =	sadd.s32 $0x400, s8  }
0x12: {  	v3 =	vlaneseq.u32;
	s29 =	sadd.s32 $0xC00, s9;
	s8 =	sadd.s32 $0x2A00, s8;
	[dreg:$0x7] =	wrdreg s30  }
0x13: {  	vm0 =	vmmov $0xffff;
	v1 =	vand.u32 $0x7, v3;
	v2 =	vshrl.u32 v3, $0x3;
	s9 =	simm.s32 $0x15B00;
	s2 =	sadd.s32 s29, s4;
	[dreg:$0x8] =	wrdreg s8  }
0x14: {  	v3 =	vor.u32 $0x8, v3;
	v2 =	vmul.u32 $0x8, v2;
	v0 =	vmov s28;
	s7 =	simm.s32 $0x0;
	[dreg:$0xb] =	wrdreg s2;
	s8 =	simm.s32 $0x15300  }
.LBB2_1:
0x15: {  	[dreg:$0xc] =	wrdreg s7  }
0x16: {  	s0 =	rddreg [dreg:$0x5];
	s2 =	simm.s32 $0x7300;
	s7 =	simm.s32 $0x7  }
0x17: {  	[tilespmem:s2], [sflag:$0x7] =	stream.linear.gather [hbm4b:s0+s5], $0x6000, $0x38;
	[tilespmem:$0x19300] =	vst v63  }
0x18: {  	_ =	swait.ge [sflag:s7], $0x6000  }
0x19: {  	[sflag:s7] =	ssyncset.done $0x0  }
0x1a: {  	s17 =	rddreg [dreg:$0xa];
	[sflag:s7] =	ssyncadd.s32 $0xFFFFA000  }
0x1b: {  	[hbm4b:s17+s5] =	stream.linear.scatter [tilespmem:s2], [sflag:$0x7], $0x6000, $0x38;
	[tilespmem:$0x19300] =	vst v63  }
0x1c: {  	_ =	swait.ge [sflag:s7], $0x6000  }
0x1d: {  	[sflag:s7] =	ssyncset.done $0x0  }
0x1e: {  	s26 =	rddreg [dreg:$0x6];
	[sflag:s7] =	ssyncadd.s32 $0xFFFFA000  }
0x1f: {  	[tilespmem:s2], [sflag:$0x7] =	stream.linear.gather [hbm4b:s26+s5], $0x1000, $0x38;
	[tilespmem:$0x19300] =	vst v63  }
0x20: {  	_ =	swait.ge [sflag:s7], $0x1000  }
0x21: {  	[sflag:s7] =	ssyncset.done $0x0  }
0x22: {  	s28 =	rddreg [dreg:$0xb];
	[sflag:s7] =	ssyncadd.s32 $0xFFFFF000  }
0x23: {  	[hbm4b:s28+s5] =	stream.linear.scatter [tilespmem:s2], [sflag:$0x7], $0x1000, $0x38;
	[tilespmem:$0x19300] =	vst v63  }
0x24: {  	_ =	swait.ge [sflag:s7], $0x1000  }
0x25: {  	[sflag:s7] =	ssyncset.done $0x0  }
0x26: {  	s29 =	rddreg [dreg:$0x7];
	[sflag:s7] =	ssyncadd.s32 $0xFFFFF000  }
0x27: {  	[tilespmem:s5], [sflag:$0x7] =	stream.linear.gather [hbm4b:s29+s5], $0x960, $0x38;
	[tilespmem:$0x19300] =	vst v63  }
0x28: {  	_ =	swait.ge [sflag:s7], $0x960  }
0x29: {  	[sflag:s7] =	ssyncset.done $0x0  }
0x2a: {  	s31 =	simm.s32 $0x980;
	s30 =	rddreg [dreg:$0x8];
	[sflag:s7] =	ssyncadd.s32 $0xFFFFF6A0  }
0x2b: {  	[tilespmem:s31], [sflag:$0x7] =	stream.linear.gather [hbm4b:s30+s5], $0x960, $0x38;
	[tilespmem:$0x19300] =	vst v63  }
0x2c: {  	_ =	swait.ge [sflag:s7], $0x960  }
0x2d: {  	[sflag:s7] =	ssyncset.done $0x0  }
0x2e: {  	s0 =	simm.s32 $0x0;
	s2 =	simm.s32 $0x40;
	[sflag:s7] =	ssyncadd.s32 $0xFFFFF6A0  }
.LBB2_2:
0x2f: {  	p0 =	sne.s32 s2, $0x2540;
	v4 =	vld [tilespmem:s0+$0x980];
	_ =	sdelay $0x1  }
.Ltmp0:
0x30: {  	(pc) =	sbr.rel @p0 .LBB2_2-.Ltmp0, $3  }
0x31: {  	_ =	sdelay $0x1  }
0x32: {  	v4 =	vadd.s32 v0, v4  }
0x33: {  	[tilespmem:s0+$0x980] =	vst v4;
	s0 =	sshra.s32 s2, $0x2;
	s2 =	sadd.s32 $0x40, s2  }
0x34: {  	v4 =	vld [tilespmem:s0+$0x980];
	_ =	sdelay $0x4  }
0x35: {  	v4 =	vadd.s32 v0, v4  }
0x36: {  	[tilespmem:s0+$0x980] =	vst v4  }
0x37: {  	v4 =	vld [tilespmem:$0x0];
	_ =	sdelay $0x4  }
0x38: {  	v5 =	vshll.u32 v4, $0x2  }
0x39: {  	v4 =	vand.u32 $0x7, v4;
	v5 =	vand.u32 $0xFFFFFFE0, v5  }
0x3a: {  	v4 =	vor.u32 v4, v5  }
0x3b: {  	v5 =	vperm.xlane v4, v1;
	_ =	sdelay $0x1  }
0x3c: {  	v5 =	vadd.s32 v2, v5;
	_ =	sdelay $0x1  }
0x3d: {  	v4 =	vperm.xlane v4, v3;
	_ =	sdelay $0x1  }
0x3e: {  	v4 =	vadd.s32 v2, v4  }
0x3f: {  	[tilespmem:s18], [sflag:$0x1] =	stream.indirect_vreg.gather [hbm4b:s1+s25], $0x80, v5, vm0, $0xb8;
	[tilespmem:$0x19300] =	vst v63  }
0x40: {  	s26 =	simm.s32 $0x1B00  }
0x41: {  	[tilespmem:s26], [sflag:$0x1] =	stream.indirect_vreg.gather [hbm4b:s11+s25], $0x80, v5, vm0, $0xb8;
	[tilespmem:$0x19300] =	vst v63  }
0x42: {  	s29 =	simm.s32 $0x2300  }
0x43: {  	[tilespmem:s29], [sflag:$0x1] =	stream.indirect_vreg.gather [hbm4b:s1+s25], $0x80, v4, vm0, $0xb8;
	[tilespmem:$0x19300] =	vst v63  }
0x44: {  	s30 =	simm.s32 $0x2B00  }
0x45: {  	[tilespmem:s30], [sflag:$0x1] =	stream.indirect_vreg.gather [hbm4b:s11+s25], $0x80, v4, vm0, $0xb8;
	[tilespmem:$0x19300] =	vst v63  }
0x46: {  	v4 =	vld [tilespmem:$0x10];
	_ =	sdelay $0x4  }
0x47: {  	v5 =	vshll.u32 v4, $0x2  }
0x48: {  	v4 =	vand.u32 $0x7, v4;
	v5 =	vand.u32 $0xFFFFFFE0, v5  }
0x49: {  	v4 =	vor.u32 v4, v5  }
0x4a: {  	v5 =	vperm.xlane v4, v1;
	_ =	sdelay $0x1  }
0x4b: {  	v5 =	vadd.s32 v2, v5;
	_ =	sdelay $0x1  }
0x4c: {  	v4 =	vperm.xlane v4, v3;
	_ =	sdelay $0x1  }
0x4d: {  	s31 =	simm.s32 $0x3300;
	v4 =	vadd.s32 v2, v4  }
0x4e: {  	[tilespmem:s31], [sflag:$0x1] =	stream.indirect_vreg.gather [hbm4b:s1+s25], $0x80, v5, vm0, $0xb8;
	[tilespmem:$0x19300] =	vst v63  }
0x4f: {  	s2 =	simm.s32 $0x3B00  }
0x50: {  	[tilespmem:s2], [sflag:$0x1] =	stream.indirect_vreg.gather [hbm4b:s11+s25], $0x80, v5, vm0, $0xb8;
	[tilespmem:$0x19300] =	vst v63  }
0x51: {  	s7 =	simm.s32 $0x4300  }
0x52: {  	[tilespmem:s7], [sflag:$0x1] =	stream.indirect_vreg.gather [hbm4b:s1+s25], $0x80, v4, vm0, $0xb8;
	[tilespmem:$0x19300] =	vst v63  }
0x53: {  	s17 =	simm.s32 $0x4B00  }
0x54: {  	[tilespmem:s17], [sflag:$0x1] =	stream.indirect_vreg.gather [hbm4b:s11+s25], $0x80, v4, vm0, $0xb8;
	[tilespmem:$0x19300] =	vst v63  }
0x55: {  	v4 =	vld [tilespmem:$0x20];
	_ =	sdelay $0x4  }
0x56: {  	v5 =	vshll.u32 v4, $0x2  }
0x57: {  	v4 =	vand.u32 $0x7, v4;
	v5 =	vand.u32 $0xFFFFFFE0, v5  }
0x58: {  	v4 =	vor.u32 v4, v5  }
0x59: {  	v5 =	vperm.xlane v4, v1;
	_ =	sdelay $0x1  }
0x5a: {  	v5 =	vadd.s32 v2, v5;
	_ =	sdelay $0x1  }
0x5b: {  	v4 =	vperm.xlane v4, v3;
	_ =	sdelay $0x1  }
0x5c: {  	s26 =	simm.s32 $0x5300;
	v4 =	vadd.s32 v2, v4  }
0x5d: {  	[tilespmem:s26], [sflag:$0x1] =	stream.indirect_vreg.gather [hbm4b:s1+s25], $0x80, v5, vm0, $0xb8;
	[tilespmem:$0x19300] =	vst v63  }
0x5e: {  	s29 =	simm.s32 $0x5B00  }
0x5f: {  	[tilespmem:s29], [sflag:$0x1] =	stream.indirect_vreg.gather [hbm4b:s11+s25], $0x80, v5, vm0, $0xb8;
	[tilespmem:$0x19300] =	vst v63  }
0x60: {  	s30 =	simm.s32 $0x6300  }
0x61: {  	[tilespmem:s30], [sflag:$0x1] =	stream.indirect_vreg.gather [hbm4b:s1+s25], $0x80, v4, vm0, $0xb8;
	[tilespmem:$0x19300] =	vst v63  }
0x62: {  	s31 =	simm.s32 $0x6B00  }
0x63: {  	[tilespmem:s31], [sflag:$0x1] =	stream.indirect_vreg.gather [hbm4b:s11+s25], $0x80, v4, vm0, $0xb8;
	[tilespmem:$0x19300] =	vst v63  }
0x64: {  	v4 =	vld [tilespmem:$0x980];
	_ =	sdelay $0x4  }
0x65: {  	v5 =	vshll.u32 v4, $0x2  }
0x66: {  	v4 =	vand.u32 $0x7, v4;
	v5 =	vand.u32 $0xFFFFFFE0, v5  }
0x67: {  	v4 =	vor.u32 v4, v5  }
0x68: {  	v5 =	vperm.xlane v4, v1;
	_ =	sdelay $0x1  }
0x69: {  	v5 =	vadd.s32 v2, v5;
	_ =	sdelay $0x1  }
0x6a: {  	v4 =	vperm.xlane v4, v3;
	_ =	sdelay $0x1  }
0x6b: {  	s2 =	simm.s32 $0x7300;
	v4 =	vadd.s32 v2, v4  }
0x6c: {  	[tilespmem:s2], [sflag:$0x2] =	stream.indirect_vreg.gather [hbm4b:s4+s25], $0x80, v5, vm0, $0xb8;
	[tilespmem:$0x19300] =	vst v63  }
0x6d: {  	s7 =	simm.s32 $0x7B00;
	s26 =	sadd.s32 $0x100, s4  }
0x6e: {  	[tilespmem:s7], [sflag:$0x2] =	stream.indirect_vreg.gather [hbm4b:s26+s25], $0x80, v5, vm0, $0xb8;
	[tilespmem:$0x19300] =	vst v63  }
0x6f: {  	s17 =	simm.s32 $0x8300  }
0x70: {  	[tilespmem:s17], [sflag:$0x2] =	stream.indirect_vreg.gather [hbm4b:s4+s25], $0x80, v4, vm0, $0xb8;
	[tilespmem:$0x19300] =	vst v63  }
0x71: {  	s29 =	simm.s32 $0x8B00  }
0x72: {  	[tilespmem:s29], [sflag:$0x2] =	stream.indirect_vreg.gather [hbm4b:s26+s25], $0x80, v4, vm0, $0xb8;
	[tilespmem:$0x19300] =	vst v63  }
0x73: {  	v4 =	vld [tilespmem:$0x990];
	_ =	sdelay $0x4  }
0x74: {  	v5 =	vshll.u32 v4, $0x2  }
0x75: {  	v4 =	vand.u32 $0x7, v4;
	v5 =	vand.u32 $0xFFFFFFE0, v5  }
0x76: {  	v4 =	vor.u32 v4, v5  }
0x77: {  	v5 =	vperm.xlane v4, v1;
	_ =	sdelay $0x1  }
0x78: {  	v5 =	vadd.s32 v2, v5;
	_ =	sdelay $0x1  }
0x79: {  	v4 =	vperm.xlane v4, v3;
	_ =	sdelay $0x1  }
0x7a: {  	s30 =	simm.s32 $0x9300;
	v4 =	vadd.s32 v2, v4  }
0x7b: {  	[tilespmem:s30], [sflag:$0x2] =	stream.indirect_vreg.gather [hbm4b:s4+s25], $0x80, v5, vm0, $0xb8;
	[tilespmem:$0x19300] =	vst v63  }
0x7c: {  	s31 =	simm.s32 $0x9B00  }
0x7d: {  	[tilespmem:s31], [sflag:$0x2] =	stream.indirect_vreg.gather [hbm4b:s26+s25], $0x80, v5, vm0, $0xb8;
	[tilespmem:$0x19300] =	vst v63  }
0x7e: {  	s2 =	simm.s32 $0xA300  }
0x7f: {  	[tilespmem:s2], [sflag:$0x2] =	stream.indirect_vreg.gather [hbm4b:s4+s25], $0x80, v4, vm0, $0xb8;
	[tilespmem:$0x19300] =	vst v63  }
0x80: {  	s7 =	simm.s32 $0xAB00  }
0x81: {  	[tilespmem:s7], [sflag:$0x2] =	stream.indirect_vreg.gather [hbm4b:s26+s25], $0x80, v4, vm0, $0xb8;
	[tilespmem:$0x19300] =	vst v63  }
0x82: {  	v4 =	vld [tilespmem:$0x9A0];
	_ =	sdelay $0x4  }
0x83: {  	v5 =	vshll.u32 v4, $0x2  }
0x84: {  	v4 =	vand.u32 $0x7, v4;
	v5 =	vand.u32 $0xFFFFFFE0, v5  }
0x85: {  	v4 =	vor.u32 v4, v5  }
0x86: {  	v5 =	vperm.xlane v4, v1;
	_ =	sdelay $0x1  }
0x87: {  	v5 =	vadd.s32 v2, v5;
	_ =	sdelay $0x1  }
0x88: {  	v4 =	vperm.xlane v4, v3;
	_ =	sdelay $0x1  }
0x89: {  	s17 =	simm.s32 $0xB300;
	v4 =	vadd.s32 v2, v4  }
0x8a: {  	[tilespmem:s17], [sflag:$0x2] =	stream.indirect_vreg.gather [hbm4b:s4+s25], $0x80, v5, vm0, $0xb8;
	[tilespmem:$0x19300] =	vst v63  }
0x8b: {  	s29 =	simm.s32 $0xBB00  }
0x8c: {  	[tilespmem:s29], [sflag:$0x2] =	stream.indirect_vreg.gather [hbm4b:s26+s25], $0x80, v5, vm0, $0xb8;
	[tilespmem:$0x19300] =	vst v63  }
0x8d: {  	s30 =	simm.s32 $0xC300  }
0x8e: {  	[tilespmem:s30], [sflag:$0x2] =	stream.indirect_vreg.gather [hbm4b:s4+s25], $0x80, v4, vm0, $0xb8;
	[tilespmem:$0x19300] =	vst v63  }
0x8f: {  	s28 =	simm.s32 $0x0;
	s31 =	simm.s32 $0xCB00  }
0x90: {  	[tilespmem:s31], [sflag:$0x2] =	stream.indirect_vreg.gather [hbm4b:s26+s25], $0x80, v4, vm0, $0xb8;
	[tilespmem:$0x19300] =	vst v63  }
.LBB2_4:
0x91: {  	p0 =	seq.s32 s28, $0x0  }
0x92: {  	s0 =	simm.s32 @!p0 $0x6  }
0x93: {  	_ =	swait.ge @!p0 [sflag:s0], $0x6000  }
0x94: {  	s30 =	smul.u32 $0x60, s28;
	[sflag:s0] =	ssyncset.done @!p0 $0x0  }
0x95: {  	[sflag:s0] =	ssyncadd.s32 @!p0 $0xFFFFA000  }
0x96: {  	v4 =	vld [tilespmem:s30+$0x30];
	_ =	sdelay $0x4  }
0x97: {  	v5 =	vshll.u32 v4, $0x2  }
0x98: {  	v4 =	vand.u32 $0x7, v4;
	v5 =	vand.u32 $0xFFFFFFE0, v5  }
0x99: {  	v4 =	vor.u32 v4, v5  }
0x9a: {  	v5 =	vperm.xlane v4, v1;
	_ =	sdelay $0x1  }
0x9b: {  	v5 =	vadd.s32 v2, v5;
	_ =	sdelay $0x1  }
0x9c: {  	v4 =	vperm.xlane v4, v3;
	_ =	sdelay $0x1  }
0x9d: {  	v4 =	vadd.s32 v2, v4  }
0x9e: {  	[tilespmem:s19], [sflag:$0x3] =	stream.indirect_vreg.gather [hbm4b:s1+s25], $0x80, v5, vm0, $0xb8;
	[tilespmem:$0x19300] =	vst v63  }
0x9f: {  	s17 =	simm.s32 $0xDB00  }
0xa0: {  	[tilespmem:s17], [sflag:$0x3] =	stream.indirect_vreg.gather [hbm4b:s11+s25], $0x80, v5, vm0, $0xb8;
	[tilespmem:$0x19300] =	vst v63  }
0xa1: {  	s2 =	simm.s32 $0xE300  }
0xa2: {  	[tilespmem:s2], [sflag:$0x3] =	stream.indirect_vreg.gather [hbm4b:s1+s25], $0x80, v4, vm0, $0xb8;
	[tilespmem:$0x19300] =	vst v63  }
0xa3: {  	s7 =	simm.s32 $0xEB00  }
0xa4: {  	[tilespmem:s7], [sflag:$0x3] =	stream.indirect_vreg.gather [hbm4b:s11+s25], $0x80, v4, vm0, $0xb8;
	[tilespmem:$0x19300] =	vst v63  }
0xa5: {  	v4 =	vld [tilespmem:s30+$0x40];
	_ =	sdelay $0x4  }
0xa6: {  	v5 =	vshll.u32 v4, $0x2  }
0xa7: {  	v4 =	vand.u32 $0x7, v4;
	v5 =	vand.u32 $0xFFFFFFE0, v5  }
0xa8: {  	v4 =	vor.u32 v4, v5  }
0xa9: {  	v5 =	vperm.xlane v4, v1;
	_ =	sdelay $0x1  }
0xaa: {  	v5 =	vadd.s32 v2, v5;
	_ =	sdelay $0x1  }
0xab: {  	v4 =	vperm.xlane v4, v3;
	_ =	sdelay $0x1  }
0xac: {  	s17 =	simm.s32 $0xF300;
	v4 =	vadd.s32 v2, v4  }
0xad: {  	[tilespmem:s17], [sflag:$0x3] =	stream.indirect_vreg.gather [hbm4b:s1+s25], $0x80, v5, vm0, $0xb8;
	[tilespmem:$0x19300] =	vst v63  }
0xae: {  	s2 =	simm.s32 $0xFB00  }
0xaf: {  	[tilespmem:s2], [sflag:$0x3] =	stream.indirect_vreg.gather [hbm4b:s11+s25], $0x80, v5, vm0, $0xb8;
	[tilespmem:$0x19300] =	vst v63  }
0xb0: {  	s7 =	simm.s32 $0x10300  }
0xb1: {  	[tilespmem:s7], [sflag:$0x3] =	stream.indirect_vreg.gather [hbm4b:s1+s25], $0x80, v4, vm0, $0xb8;
	[tilespmem:$0x19300] =	vst v63  }
0xb2: {  	s17 =	simm.s32 $0x10B00  }
0xb3: {  	[tilespmem:s17], [sflag:$0x3] =	stream.indirect_vreg.gather [hbm4b:s11+s25], $0x80, v4, vm0, $0xb8;
	[tilespmem:$0x19300] =	vst v63  }
0xb4: {  	v4 =	vld [tilespmem:s30+$0x50];
	_ =	sdelay $0x4  }
0xb5: {  	v5 =	vshll.u32 v4, $0x2  }
0xb6: {  	v4 =	vand.u32 $0x7, v4;
	v5 =	vand.u32 $0xFFFFFFE0, v5  }
0xb7: {  	v4 =	vor.u32 v4, v5  }
0xb8: {  	v5 =	vperm.xlane v4, v1;
	_ =	sdelay $0x1  }
0xb9: {  	v5 =	vadd.s32 v2, v5;
	_ =	sdelay $0x1  }
0xba: {  	v4 =	vperm.xlane v4, v3;
	_ =	sdelay $0x1  }
0xbb: {  	s2 =	simm.s32 $0x11300;
	v4 =	vadd.s32 v2, v4  }
0xbc: {  	[tilespmem:s2], [sflag:$0x3] =	stream.indirect_vreg.gather [hbm4b:s1+s25], $0x80, v5, vm0, $0xb8;
	[tilespmem:$0x19300] =	vst v63  }
0xbd: {  	s7 =	simm.s32 $0x11B00  }
0xbe: {  	[tilespmem:s7], [sflag:$0x3] =	stream.indirect_vreg.gather [hbm4b:s11+s25], $0x80, v5, vm0, $0xb8;
	[tilespmem:$0x19300] =	vst v63  }
0xbf: {  	s17 =	simm.s32 $0x12300  }
0xc0: {  	[tilespmem:s17], [sflag:$0x3] =	stream.indirect_vreg.gather [hbm4b:s1+s25], $0x80, v4, vm0, $0xb8;
	[tilespmem:$0x19300] =	vst v63  }
0xc1: {  	s2 =	simm.s32 $0x12B00  }
0xc2: {  	[tilespmem:s2], [sflag:$0x3] =	stream.indirect_vreg.gather [hbm4b:s11+s25], $0x80, v4, vm0, $0xb8;
	[tilespmem:$0x19300] =	vst v63  }
0xc3: {  	v4 =	vld [tilespmem:s30+$0x9B0];
	_ =	sdelay $0x4  }
0xc4: {  	v5 =	vshll.u32 v4, $0x2  }
0xc5: {  	v4 =	vand.u32 $0x7, v4;
	v5 =	vand.u32 $0xFFFFFFE0, v5  }
0xc6: {  	v4 =	vor.u32 v4, v5  }
0xc7: {  	v5 =	vperm.xlane v4, v1;
	_ =	sdelay $0x1  }
0xc8: {  	v5 =	vadd.s32 v2, v5;
	_ =	sdelay $0x1  }
0xc9: {  	v4 =	vperm.xlane v4, v3;
	_ =	sdelay $0x1  }
0xca: {  	s7 =	simm.s32 $0x13300;
	v4 =	vadd.s32 v2, v4  }
0xcb: {  	[tilespmem:s7], [sflag:$0x4] =	stream.indirect_vreg.gather [hbm4b:s4+s25], $0x80, v5, vm0, $0xb8;
	[tilespmem:$0x19300] =	vst v63  }
0xcc: {  	s17 =	simm.s32 $0x13B00  }
0xcd: {  	[tilespmem:s17], [sflag:$0x4] =	stream.indirect_vreg.gather [hbm4b:s26+s25], $0x80, v5, vm0, $0xb8;
	[tilespmem:$0x19300] =	vst v63  }
0xce: {  	s2 =	simm.s32 $0x14300  }
0xcf: {  	[tilespmem:s2], [sflag:$0x4] =	stream.indirect_vreg.gather [hbm4b:s4+s25], $0x80, v4, vm0, $0xb8;
	[tilespmem:$0x19300] =	vst v63  }
0xd0: {  	s7 =	simm.s32 $0x14B00  }
0xd1: {  	[tilespmem:s7], [sflag:$0x4] =	stream.indirect_vreg.gather [hbm4b:s26+s25], $0x80, v4, vm0, $0xb8;
	[tilespmem:$0x19300] =	vst v63  }
0xd2: {  	v4 =	vld [tilespmem:s30+$0x9C0];
	_ =	sdelay $0x4  }
0xd3: {  	v5 =	vshll.u32 v4, $0x2  }
0xd4: {  	v4 =	vand.u32 $0x7, v4;
	v5 =	vand.u32 $0xFFFFFFE0, v5  }
0xd5: {  	v4 =	vor.u32 v4, v5  }
0xd6: {  	v5 =	vperm.xlane v4, v1;
	_ =	sdelay $0x1  }
0xd7: {  	v5 =	vadd.s32 v2, v5;
	_ =	sdelay $0x1  }
0xd8: {  	v4 =	vperm.xlane v4, v3;
	_ =	sdelay $0x1  }
0xd9: {  	v4 =	vadd.s32 v2, v4  }
0xda: {  	[tilespmem:s8], [sflag:$0x4] =	stream.indirect_vreg.gather [hbm4b:s4+s25], $0x80, v5, vm0, $0xb8;
	[tilespmem:$0x19300] =	vst v63  }
0xdb: {  	_ = 	snop  }
0xdc: {  	[tilespmem:s9], [sflag:$0x4] =	stream.indirect_vreg.gather [hbm4b:s26+s25], $0x80, v5, vm0, $0xb8;
	[tilespmem:$0x19300] =	vst v63  }
0xdd: {  	_ = 	snop  }
0xde: {  	[tilespmem:s10], [sflag:$0x4] =	stream.indirect_vreg.gather [hbm4b:s4+s25], $0x80, v4, vm0, $0xb8;
	[tilespmem:$0x19300] =	vst v63  }
0xdf: {  	_ = 	snop  }
0xe0: {  	[tilespmem:s12], [sflag:$0x4] =	stream.indirect_vreg.gather [hbm4b:s26+s25], $0x80, v4, vm0, $0xb8;
	[tilespmem:$0x19300] =	vst v63  }
0xe1: {  	v4 =	vld [tilespmem:s30+$0x9D0];
	_ =	sdelay $0x4  }
0xe2: {  	v5 =	vshll.u32 v4, $0x2  }
0xe3: {  	v4 =	vand.u32 $0x7, v4;
	v5 =	vand.u32 $0xFFFFFFE0, v5  }
0xe4: {  	v4 =	vor.u32 v4, v5  }
0xe5: {  	v5 =	vperm.xlane v4, v1;
	_ =	sdelay $0x1  }
0xe6: {  	v5 =	vadd.s32 v2, v5;
	_ =	sdelay $0x1  }
0xe7: {  	v4 =	vperm.xlane v4, v3;
	_ =	sdelay $0x1  }
0xe8: {  	v4 =	vadd.s32 v2, v4  }
0xe9: {  	[tilespmem:s15], [sflag:$0x4] =	stream.indirect_vreg.gather [hbm4b:s4+s25], $0x80, v5, vm0, $0xb8;
	[tilespmem:$0x19300] =	vst v63  }
0xea: {  	_ = 	snop  }
0xeb: {  	[tilespmem:s16], [sflag:$0x4] =	stream.indirect_vreg.gather [hbm4b:s26+s25], $0x80, v5, vm0, $0xb8;
	[tilespmem:$0x19300] =	vst v63  }
0xec: {  	_ = 	snop  }
0xed: {  	[tilespmem:s14], [sflag:$0x4] =	stream.indirect_vreg.gather [hbm4b:s4+s25], $0x80, v4, vm0, $0xb8;
	[tilespmem:$0x19300] =	vst v63  }
0xee: {  	_ = 	snop  }
0xef: {  	[tilespmem:s13], [sflag:$0x4] =	stream.indirect_vreg.gather [hbm4b:s26+s25], $0x80, v4, vm0, $0xb8;
	[tilespmem:$0x19300] =	vst v63  }
0xf0: {  	_ =	swait.ge [sflag:s20], $0x6000  }
0xf1: {  	[sflag:s20] =	ssyncset.done $0x0  }
0xf2: {  	[sflag:s20] =	ssyncadd.s32 $0xFFFFA000  }
0xf3: {  	_ =	swait.ge [sflag:s21], $0x6000  }
0xf4: {  	s17 =	sand.u32 $0x7000, s25;
	s2 =	sand.u32 $0x380, s25;
	[sflag:s21] =	ssyncset.done $0x0  }
0xf5: {  	s31 =	sor.u32 s2, s17;
	[sflag:s21] =	ssyncadd.s32 $0xFFFFA000  }
0xf6: {  	v11 =	vld [tilespmem:s31+$0x7300]  }
0xf7: {  	v12 =	vld [tilespmem:s31+$0x7310]  }
0xf8: {  	v13 =	vld [tilespmem:s31+$0x7320]  }
0xf9: {  	v14 =	vld [tilespmem:s31+$0x7330]  }
0xfa: {  	v15 =	vld [tilespmem:s31+$0x7340]  }
0xfb: {  	v16 =	vld [tilespmem:s31+$0x7350]  }
0xfc: {  	v17 =	vld [tilespmem:s31+$0x7360]  }
0xfd: {  	v18 =	vld [tilespmem:s31+$0x7370]  }
0xfe: {  	v19 =	vld [tilespmem:s31+$0x7700]  }
0xff: {  	v20 =	vld [tilespmem:s31+$0x7710]  }
0x100: {  	v21 =	vld [tilespmem:s31+$0x7720]  }
0x101: {  	v22 =	vld [tilespmem:s31+$0x7730]  }
0x102: {  	v23 =	vld [tilespmem:s31+$0x7740]  }
0x103: {  	v24 =	vld [tilespmem:s31+$0x7750]  }
0x104: {  	v25 =	vld [tilespmem:s31+$0x7760]  }
0x105: {  	v26 =	vld [tilespmem:s31+$0x7770]  }
0x106: {  	v27 =	vld [tilespmem:s31+$0x7B00]  }
0x107: {  	v28 =	vld [tilespmem:s31+$0x7B10]  }
0x108: {  	v29 =	vld [tilespmem:s31+$0x7B20]  }
0x109: {  	v30 =	vld [tilespmem:s31+$0x7B30]  }
0x10a: {  	v31 =	vld [tilespmem:s31+$0x7B40]  }
0x10b: {  	v32 =	vld [tilespmem:s31+$0x7B50]  }
0x10c: {  	v33 =	vld [tilespmem:s31+$0x7B60]  }
0x10d: {  	v34 =	vld [tilespmem:s31+$0x7B70]  }
0x10e: {  	v35 =	vld [tilespmem:s31+$0x7F00]  }
0x10f: {  	v10 =	vld [tilespmem:s31+$0x7F10]  }
0x110: {  	v9 =	vld [tilespmem:s31+$0x7F20]  }
0x111: {  	v8 =	vld [tilespmem:s31+$0x7F30]  }
0x112: {  	v7 =	vld [tilespmem:s31+$0x7F40]  }
0x113: {  	v6 =	vld [tilespmem:s31+$0x7F50]  }
0x114: {  	v5 =	vld [tilespmem:s31+$0x7F60]  }
0x115: {  	v4 =	vld [tilespmem:s31+$0x7F70]  }
0x116: {  	v36 =	vld [tilespmem:s31+$0x1300]  }
0x117: {  	v37 =	vld [tilespmem:s31+$0x1310]  }
0x118: {  	v38 =	vld [tilespmem:s31+$0x1320]  }
0x119: {  	v39 =	vld [tilespmem:s31+$0x1330]  }
0x11a: {  	v40 =	vld [tilespmem:s31+$0x1340]  }
0x11b: {  	v62 =	vld [tilespmem:s31+$0x1350];
	v11 =	vadd.f32 v11, v36  }
0x11c: {  	v63 =	vld [tilespmem:s31+$0x1360];
	v12 =	vadd.f32 v12, v37  }
0x11d: {  	[tilespmem:s31+$0x1300] =	vst v11;
	v11 =	vadd.f32 v13, v38;
	v13 =	vld [tilespmem:s31+$0x1370]  }
0x11e: {  	[tilespmem:s31+$0x1310] =	vst v12;
	v12 =	vadd.f32 v14, v39;
	v14 =	vld [tilespmem:s31+$0x1700]  }
0x11f: {  	[tilespmem:s31+$0x1320] =	vst v11;
	v11 =	vadd.f32 v15, v40;
	v15 =	vld [tilespmem:s31+$0x1710]  }
0x120: {  	[tilespmem:s31+$0x1330] =	vst v12;
	v12 =	vadd.f32 v16, v62;
	v16 =	vld [tilespmem:s31+$0x1720]  }
0x121: {  	[tilespmem:s31+$0x1340] =	vst v11;
	v11 =	vadd.f32 v17, v63;
	v17 =	vld [tilespmem:s31+$0x1730]  }
0x122: {  	[tilespmem:s31+$0x1350] =	vst v12;
	v12 =	vadd.f32 v18, v13;
	v13 =	vld [tilespmem:s31+$0x1740]  }
0x123: {  	[tilespmem:s31+$0x1360] =	vst v11;
	v11 =	vadd.f32 v19, v14;
	v14 =	vld [tilespmem:s31+$0x1750]  }
0x124: {  	[tilespmem:s31+$0x1370] =	vst v12;
	v12 =	vadd.f32 v20, v15;
	v15 =	vld [tilespmem:s31+$0x1760]  }
0x125: {  	[tilespmem:s31+$0x1700] =	vst v11;
	v11 =	vadd.f32 v21, v16;
	v16 =	vld [tilespmem:s31+$0x1770]  }
0x126: {  	[tilespmem:s31+$0x1710] =	vst v12;
	v12 =	vadd.f32 v22, v17;
	v17 =	vld [tilespmem:s31+$0x1B00]  }
0x127: {  	[tilespmem:s31+$0x1720] =	vst v11;
	v11 =	vadd.f32 v23, v13;
	v13 =	vld [tilespmem:s31+$0x1B10]  }
0x128: {  	[tilespmem:s31+$0x1730] =	vst v12;
	v12 =	vadd.f32 v24, v14;
	v14 =	vld [tilespmem:s31+$0x1B20]  }
0x129: {  	[tilespmem:s31+$0x1740] =	vst v11;
	v11 =	vadd.f32 v25, v15;
	v15 =	vld [tilespmem:s31+$0x1B30]  }
0x12a: {  	[tilespmem:s31+$0x1750] =	vst v12;
	v12 =	vadd.f32 v26, v16;
	v16 =	vld [tilespmem:s31+$0x1B40]  }
0x12b: {  	[tilespmem:s31+$0x1760] =	vst v11;
	v11 =	vadd.f32 v27, v17;
	v17 =	vld [tilespmem:s31+$0x1B50]  }
0x12c: {  	v18 =	vld [tilespmem:s31+$0x1B60];
	[tilespmem:s31+$0x1770] =	vst v12;
	v12 =	vadd.f32 v28, v13  }
0x12d: {  	v19 =	vld [tilespmem:s31+$0x1B70];
	[tilespmem:s31+$0x1B00] =	vst v11;
	v11 =	vadd.f32 v29, v14  }
0x12e: {  	[tilespmem:s31+$0x1B10] =	vst v12;
	v12 =	vadd.f32 v30, v15;
	v15 =	vld [tilespmem:s31+$0x1F00]  }
0x12f: {  	v14 =	vld [tilespmem:s31+$0x1F10];
	[tilespmem:s31+$0x1B20] =	vst v11;
	v11 =	vadd.f32 v31, v16  }
0x130: {  	v13 =	vld [tilespmem:s31+$0x1F20];
	[tilespmem:s31+$0x1B30] =	vst v12;
	v12 =	vadd.f32 v32, v17  }
0x131: {  	v16 =	vadd.f32 v33, v18;
	[tilespmem:s31+$0x1B40] =	vst v11;
	v11 =	vld [tilespmem:s31+$0x1F30]  }
0x132: {  	v17 =	vadd.f32 v34, v19;
	[tilespmem:s31+$0x1B50] =	vst v12;
	v12 =	vld [tilespmem:s31+$0x1F40]  }
0x133: {  	s29 =	sadd.s32 $0x30, s30;
	s0 =	simm.s32 $0x200;
	s2 =	simm.s32 $0x80;
	[tilespmem:s31+$0x1B60] =	vst v16;
	v16 =	vadd.f32 v35, v15;
	v15 =	vld [tilespmem:s31+$0x1F50]  }
.LBB2_5:
0x134: {  	s17 =	sand.u32 $0x7000, s0;
	s7 =	sand.u32 $0x380, s2;
	p0 =	sne.s32 s0, $0x5E00;
	[tilespmem:s31+$0x1B70] =	vst v17;
	v10 =	vadd.f32 v10, v14;
	v14 =	vld [tilespmem:s31+$0x1F60]  }
0x135: {  	s7 =	sor.u32 s7, s17;
	[tilespmem:s31+$0x1F00] =	vst v16;
	v9 =	vadd.f32 v9, v13;
	v13 =	vld [tilespmem:s31+$0x1F70]  }
0x136: {  	v16 =	vld [tilespmem:s7+$0x7300];
	[tilespmem:s31+$0x1F10] =	vst v10;
	v8 =	vadd.f32 v8, v11  }
0x137: {  	v11 =	vld [tilespmem:s7+$0x7310];
	[tilespmem:s31+$0x1F20] =	vst v9;
	v7 =	vadd.f32 v7, v12  }
0x138: {  	v12 =	vld [tilespmem:s7+$0x7320];
	[tilespmem:s31+$0x1F30] =	vst v8;
	v6 =	vadd.f32 v6, v15  }
0x139: {  	v15 =	vld [tilespmem:s7+$0x7330];
	[tilespmem:s31+$0x1F40] =	vst v7;
	v5 =	vadd.f32 v5, v14  }
0x13a: {  	v14 =	vld [tilespmem:s7+$0x7340];
	[tilespmem:s31+$0x1F50] =	vst v6;
	v4 =	vadd.f32 v4, v13  }
0x13b: {  	v13 =	vld [tilespmem:s7+$0x7350];
	[tilespmem:s31+$0x1F60] =	vst v5  }
0x13c: {  	v17 =	vld [tilespmem:s7+$0x7360];
	[tilespmem:s31+$0x1F70] =	vst v4;
	s31 =	smov.u32 s7  }
0x13d: {  	v18 =	vld [tilespmem:s31+$0x7370]  }
0x13e: {  	v19 =	vld [tilespmem:s31+$0x7700]  }
0x13f: {  	v20 =	vld [tilespmem:s31+$0x7710]  }
0x140: {  	v21 =	vld [tilespmem:s31+$0x7720]  }
0x141: {  	v22 =	vld [tilespmem:s31+$0x7730]  }
0x142: {  	v23 =	vld [tilespmem:s31+$0x7740]  }
0x143: {  	v24 =	vld [tilespmem:s31+$0x7750]  }
0x144: {  	v25 =	vld [tilespmem:s31+$0x7760]  }
0x145: {  	v26 =	vld [tilespmem:s31+$0x7770]  }
0x146: {  	v27 =	vld [tilespmem:s31+$0x7B00]  }
0x147: {  	v28 =	vld [tilespmem:s31+$0x7B10]  }
0x148: {  	v29 =	vld [tilespmem:s31+$0x7B20]  }
0x149: {  	v30 =	vld [tilespmem:s31+$0x7B30]  }
0x14a: {  	v31 =	vld [tilespmem:s31+$0x7B40]  }
0x14b: {  	v32 =	vld [tilespmem:s31+$0x7B50]  }
0x14c: {  	v33 =	vld [tilespmem:s31+$0x7B60]  }
0x14d: {  	v34 =	vld [tilespmem:s31+$0x7B70]  }
0x14e: {  	v35 =	vld [tilespmem:s31+$0x7F00]  }
0x14f: {  	v10 =	vld [tilespmem:s31+$0x7F10]  }
0x150: {  	v9 =	vld [tilespmem:s31+$0x7F20]  }
0x151: {  	v8 =	vld [tilespmem:s31+$0x7F30]  }
0x152: {  	v7 =	vld [tilespmem:s31+$0x7F40]  }
0x153: {  	v6 =	vld [tilespmem:s31+$0x7F50]  }
0x154: {  	v5 =	vld [tilespmem:s31+$0x7F60]  }
0x155: {  	v4 =	vld [tilespmem:s31+$0x7F70]  }
0x156: {  	v36 =	vld [tilespmem:s31+$0x1300]  }
0x157: {  	v37 =	vld [tilespmem:s31+$0x1310]  }
0x158: {  	v38 =	vld [tilespmem:s31+$0x1320]  }
0x159: {  	v39 =	vld [tilespmem:s31+$0x1330]  }
0x15a: {  	v40 =	vld [tilespmem:s31+$0x1340]  }
0x15b: {  	v16 =	vadd.f32 v16, v36;
	v36 =	vld [tilespmem:s31+$0x1350]  }
0x15c: {  	v11 =	vadd.f32 v11, v37;
	v37 =	vld [tilespmem:s31+$0x1360]  }
0x15d: {  	[tilespmem:s31+$0x1300] =	vst v16;
	v12 =	vadd.f32 v12, v38;
	v16 =	vld [tilespmem:s31+$0x1370]  }
0x15e: {  	[tilespmem:s31+$0x1310] =	vst v11;
	v11 =	vadd.f32 v15, v39;
	v15 =	vld [tilespmem:s31+$0x1700]  }
0x15f: {  	[tilespmem:s31+$0x1320] =	vst v12;
	v12 =	vadd.f32 v14, v40;
	v14 =	vld [tilespmem:s31+$0x1710]  }
0x160: {  	[tilespmem:s31+$0x1330] =	vst v11;
	v11 =	vadd.f32 v13, v36;
	v13 =	vld [tilespmem:s31+$0x1720]  }
0x161: {  	[tilespmem:s31+$0x1340] =	vst v12;
	v12 =	vadd.f32 v17, v37;
	v17 =	vld [tilespmem:s31+$0x1730]  }
0x162: {  	[tilespmem:s31+$0x1350] =	vst v11;
	v11 =	vadd.f32 v18, v16;
	v16 =	vld [tilespmem:s31+$0x1740]  }
0x163: {  	[tilespmem:s31+$0x1360] =	vst v12;
	v12 =	vadd.f32 v19, v15;
	v15 =	vld [tilespmem:s31+$0x1750]  }
0x164: {  	[tilespmem:s31+$0x1370] =	vst v11;
	v11 =	vadd.f32 v20, v14;
	v14 =	vld [tilespmem:s31+$0x1760]  }
0x165: {  	[tilespmem:s31+$0x1700] =	vst v12;
	v12 =	vadd.f32 v21, v13;
	v13 =	vld [tilespmem:s31+$0x1770]  }
0x166: {  	[tilespmem:s31+$0x1710] =	vst v11;
	v11 =	vadd.f32 v22, v17;
	v17 =	vld [tilespmem:s31+$0x1B00]  }
0x167: {  	[tilespmem:s31+$0x1720] =	vst v12;
	v12 =	vadd.f32 v23, v16;
	v16 =	vld [tilespmem:s31+$0x1B10]  }
0x168: {  	[tilespmem:s31+$0x1730] =	vst v11;
	v11 =	vadd.f32 v24, v15;
	v15 =	vld [tilespmem:s31+$0x1B20]  }
0x169: {  	[tilespmem:s31+$0x1740] =	vst v12;
	v12 =	vadd.f32 v25, v14;
	v14 =	vld [tilespmem:s31+$0x1B30]  }
0x16a: {  	[tilespmem:s31+$0x1750] =	vst v11;
	v11 =	vadd.f32 v26, v13;
	v13 =	vld [tilespmem:s31+$0x1B40]  }
0x16b: {  	[tilespmem:s31+$0x1760] =	vst v12;
	v12 =	vadd.f32 v27, v17;
	v17 =	vld [tilespmem:s31+$0x1B50]  }
0x16c: {  	[tilespmem:s31+$0x1770] =	vst v11;
	v11 =	vadd.f32 v28, v16;
	v16 =	vld [tilespmem:s31+$0x1B60]  }
0x16d: {  	[tilespmem:s31+$0x1B00] =	vst v12;
	v12 =	vadd.f32 v29, v15;
	v15 =	vld [tilespmem:s31+$0x1B70]  }
0x16e: {  	[tilespmem:s31+$0x1B10] =	vst v11;
	v11 =	vadd.f32 v30, v14;
	v18 =	vld [tilespmem:s31+$0x1F00]  }
.Ltmp1:
0x16f: {  	[tilespmem:s31+$0x1B20] =	vst v12;
	v12 =	vadd.f32 v31, v13;
	v14 =	vld [tilespmem:s31+$0x1F10];
	(pc) =	sbr.rel @p0 .LBB2_5-.Ltmp1, $4  }
0x170: {  	[tilespmem:s31+$0x1B30] =	vst v11;
	v17 =	vadd.f32 v32, v17;
	v13 =	vld [tilespmem:s31+$0x1F20]  }
0x171: {  	[tilespmem:s31+$0x1B40] =	vst v12;
	v16 =	vadd.f32 v33, v16;
	v11 =	vld [tilespmem:s31+$0x1F30]  }
0x172: {  	[tilespmem:s31+$0x1B50] =	vst v17;
	v17 =	vadd.f32 v34, v15;
	v12 =	vld [tilespmem:s31+$0x1F40]  }
0x173: {  	s2 =	sadd.s32 $0x80, s2;
	s0 =	sadd.s32 $0x200, s0;
	[tilespmem:s31+$0x1B60] =	vst v16;
	v16 =	vadd.f32 v35, v18;
	v15 =	vld [tilespmem:s31+$0x1F50]  }
0x174: {  	[tilespmem:s31+$0x1B70] =	vst v17;
	v10 =	vadd.f32 v10, v14;
	v62 =	vld [tilespmem:s31+$0x1F60]  }
0x175: {  	v63 =	vld [tilespmem:s31+$0x1F70];
	[tilespmem:s31+$0x1F00] =	vst v16;
	v9 =	vadd.f32 v9, v13  }
0x176: {  	[tilespmem:s31+$0x1F10] =	vst v10;
	v8 =	vadd.f32 v8, v11  }
0x177: {  	[tilespmem:s31+$0x1F20] =	vst v9;
	v7 =	vadd.f32 v7, v12  }
0x178: {  	p0 =	seq.s32 s28, $0x18;
	[tilespmem:s31+$0x1F30] =	vst v8;
	v6 =	vadd.f32 v6, v15  }
.Ltmp2:
0x179: {  	[tilespmem:s31+$0x1F40] =	vst v7;
	v5 =	vadd.f32 v5, v62;
	(pc) =	sbr.rel @p0 .LBB2_8-.Ltmp2, $4  }
0x17a: {  	s0 =	sadd.s32 s6, s30;
	v4 =	vadd.f32 v4, v63;
	[tilespmem:s31+$0x1F50] =	vst v6  }
0x17b: {  	s0 =	sshll.u32 s0, $0x6;
	[tilespmem:s31+$0x1F60] =	vst v5  }
0x17c: {  	s0 =	sadd.s32 s3, s0;
	[tilespmem:s31+$0x1F70] =	vst v4  }
0x17d: {  	[hbm4b:s0+s5] =	stream.linear.scatter [tilespmem:s18], [sflag:$0x5], $0x6000, $0x38;
	[tilespmem:$0x19300] =	vst v63  }
0x17e: {  	_ =	swait.ge [sflag:s24], $0x6000  }
0x17f: {  	[sflag:s24] =	ssyncset.done $0x0  }
0x180: {  	[sflag:s24] =	ssyncadd.s32 $0xFFFFA000  }
0x181: {  	v4 =	vld [tilespmem:s30+$0x60];
	_ =	sdelay $0x4  }
0x182: {  	v5 =	vshll.u32 v4, $0x2  }
0x183: {  	v4 =	vand.u32 $0x7, v4;
	v5 =	vand.u32 $0xFFFFFFE0, v5  }
0x184: {  	v4 =	vor.u32 v4, v5  }
0x185: {  	v5 =	vperm.xlane v4, v1;
	_ =	sdelay $0x1  }
0x186: {  	v5 =	vadd.s32 v2, v5;
	_ =	sdelay $0x1  }
0x187: {  	v4 =	vperm.xlane v4, v3;
	_ =	sdelay $0x1  }
0x188: {  	v4 =	vadd.s32 v2, v4  }
0x189: {  	[tilespmem:s18], [sflag:$0x1] =	stream.indirect_vreg.gather [hbm4b:s1+s5], $0x80, v5, vm0, $0xb8;
	[tilespmem:$0x19300] =	vst v63  }
0x18a: {  	s0 =	simm.s32 $0x1B00  }
0x18b: {  	[tilespmem:s0], [sflag:$0x1] =	stream.indirect_vreg.gather [hbm4b:s11+s5], $0x80, v5, vm0, $0xb8;
	[tilespmem:$0x19300] =	vst v63  }
0x18c: {  	s31 =	simm.s32 $0x2300  }
0x18d: {  	[tilespmem:s31], [sflag:$0x1] =	stream.indirect_vreg.gather [hbm4b:s1+s5], $0x80, v4, vm0, $0xb8;
	[tilespmem:$0x19300] =	vst v63  }
0x18e: {  	s2 =	simm.s32 $0x2B00  }
0x18f: {  	[tilespmem:s2], [sflag:$0x1] =	stream.indirect_vreg.gather [hbm4b:s11+s5], $0x80, v4, vm0, $0xb8;
	[tilespmem:$0x19300] =	vst v63  }
0x190: {  	v4 =	vld [tilespmem:s30+$0x70];
	_ =	sdelay $0x4  }
0x191: {  	v5 =	vshll.u32 v4, $0x2  }
0x192: {  	v4 =	vand.u32 $0x7, v4;
	v5 =	vand.u32 $0xFFFFFFE0, v5  }
0x193: {  	v4 =	vor.u32 v4, v5  }
0x194: {  	v5 =	vperm.xlane v4, v1;
	_ =	sdelay $0x1  }
0x195: {  	v5 =	vadd.s32 v2, v5;
	_ =	sdelay $0x1  }
0x196: {  	v4 =	vperm.xlane v4, v3;
	_ =	sdelay $0x1  }
0x197: {  	s7 =	simm.s32 $0x3300;
	v4 =	vadd.s32 v2, v4  }
0x198: {  	[tilespmem:s7], [sflag:$0x1] =	stream.indirect_vreg.gather [hbm4b:s1+s5], $0x80, v5, vm0, $0xb8;
	[tilespmem:$0x19300] =	vst v63  }
0x199: {  	s17 =	simm.s32 $0x3B00  }
0x19a: {  	[tilespmem:s17], [sflag:$0x1] =	stream.indirect_vreg.gather [hbm4b:s11+s5], $0x80, v5, vm0, $0xb8;
	[tilespmem:$0x19300] =	vst v63  }
0x19b: {  	s31 =	simm.s32 $0x4300  }
0x19c: {  	[tilespmem:s31], [sflag:$0x1] =	stream.indirect_vreg.gather [hbm4b:s1+s5], $0x80, v4, vm0, $0xb8;
	[tilespmem:$0x19300] =	vst v63  }
0x19d: {  	s2 =	simm.s32 $0x4B00  }
0x19e: {  	[tilespmem:s2], [sflag:$0x1] =	stream.indirect_vreg.gather [hbm4b:s11+s5], $0x80, v4, vm0, $0xb8;
	[tilespmem:$0x19300] =	vst v63  }
0x19f: {  	v4 =	vld [tilespmem:s30+$0x80];
	_ =	sdelay $0x4  }
0x1a0: {  	v5 =	vshll.u32 v4, $0x2  }
0x1a1: {  	v4 =	vand.u32 $0x7, v4;
	v5 =	vand.u32 $0xFFFFFFE0, v5  }
0x1a2: {  	v4 =	vor.u32 v4, v5  }
0x1a3: {  	v5 =	vperm.xlane v4, v1;
	_ =	sdelay $0x1  }
0x1a4: {  	v5 =	vadd.s32 v2, v5;
	_ =	sdelay $0x1  }
0x1a5: {  	v4 =	vperm.xlane v4, v3;
	_ =	sdelay $0x1  }
0x1a6: {  	s7 =	simm.s32 $0x5300;
	v4 =	vadd.s32 v2, v4  }
0x1a7: {  	[tilespmem:s7], [sflag:$0x1] =	stream.indirect_vreg.gather [hbm4b:s1+s5], $0x80, v5, vm0, $0xb8;
	[tilespmem:$0x19300] =	vst v63  }
0x1a8: {  	s17 =	simm.s32 $0x5B00  }
0x1a9: {  	[tilespmem:s17], [sflag:$0x1] =	stream.indirect_vreg.gather [hbm4b:s11+s5], $0x80, v5, vm0, $0xb8;
	[tilespmem:$0x19300] =	vst v63  }
0x1aa: {  	s31 =	simm.s32 $0x6300  }
0x1ab: {  	[tilespmem:s31], [sflag:$0x1] =	stream.indirect_vreg.gather [hbm4b:s1+s5], $0x80, v4, vm0, $0xb8;
	[tilespmem:$0x19300] =	vst v63  }
0x1ac: {  	s2 =	simm.s32 $0x6B00  }
0x1ad: {  	[tilespmem:s2], [sflag:$0x1] =	stream.indirect_vreg.gather [hbm4b:s11+s5], $0x80, v4, vm0, $0xb8;
	[tilespmem:$0x19300] =	vst v63  }
0x1ae: {  	v4 =	vld [tilespmem:s30+$0x9E0];
	_ =	sdelay $0x4  }
0x1af: {  	v5 =	vshll.u32 v4, $0x2  }
0x1b0: {  	v4 =	vand.u32 $0x7, v4;
	v5 =	vand.u32 $0xFFFFFFE0, v5  }
0x1b1: {  	v4 =	vor.u32 v4, v5  }
0x1b2: {  	v5 =	vperm.xlane v4, v1;
	_ =	sdelay $0x1  }
0x1b3: {  	v5 =	vadd.s32 v2, v5;
	_ =	sdelay $0x1  }
0x1b4: {  	v4 =	vperm.xlane v4, v3;
	_ =	sdelay $0x1  }
0x1b5: {  	s7 =	simm.s32 $0x7300;
	v4 =	vadd.s32 v2, v4  }
0x1b6: {  	[tilespmem:s7], [sflag:$0x2] =	stream.indirect_vreg.gather [hbm4b:s4+s5], $0x80, v5, vm0, $0xb8;
	[tilespmem:$0x19300] =	vst v63  }
0x1b7: {  	s17 =	simm.s32 $0x7B00  }
0x1b8: {  	[tilespmem:s17], [sflag:$0x2] =	stream.indirect_vreg.gather [hbm4b:s26+s5], $0x80, v5, vm0, $0xb8;
	[tilespmem:$0x19300] =	vst v63  }
0x1b9: {  	s31 =	simm.s32 $0x8300  }
0x1ba: {  	[tilespmem:s31], [sflag:$0x2] =	stream.indirect_vreg.gather [hbm4b:s4+s5], $0x80, v4, vm0, $0xb8;
	[tilespmem:$0x19300] =	vst v63  }
0x1bb: {  	s2 =	simm.s32 $0x8B00  }
0x1bc: {  	[tilespmem:s2], [sflag:$0x2] =	stream.indirect_vreg.gather [hbm4b:s26+s5], $0x80, v4, vm0, $0xb8;
	[tilespmem:$0x19300] =	vst v63  }
0x1bd: {  	v4 =	vld [tilespmem:s30+$0x9F0];
	_ =	sdelay $0x4  }
0x1be: {  	v5 =	vshll.u32 v4, $0x2  }
0x1bf: {  	v4 =	vand.u32 $0x7, v4;
	v5 =	vand.u32 $0xFFFFFFE0, v5  }
0x1c0: {  	v4 =	vor.u32 v4, v5  }
0x1c1: {  	v5 =	vperm.xlane v4, v1;
	_ =	sdelay $0x1  }
0x1c2: {  	v5 =	vadd.s32 v2, v5;
	_ =	sdelay $0x1  }
0x1c3: {  	v4 =	vperm.xlane v4, v3;
	_ =	sdelay $0x1  }
0x1c4: {  	s7 =	simm.s32 $0x9300;
	v4 =	vadd.s32 v2, v4  }
0x1c5: {  	[tilespmem:s7], [sflag:$0x2] =	stream.indirect_vreg.gather [hbm4b:s4+s5], $0x80, v5, vm0, $0xb8;
	[tilespmem:$0x19300] =	vst v63  }
0x1c6: {  	s17 =	simm.s32 $0x9B00  }
0x1c7: {  	[tilespmem:s17], [sflag:$0x2] =	stream.indirect_vreg.gather [hbm4b:s26+s5], $0x80, v5, vm0, $0xb8;
	[tilespmem:$0x19300] =	vst v63  }
0x1c8: {  	s31 =	simm.s32 $0xA300  }
0x1c9: {  	[tilespmem:s31], [sflag:$0x2] =	stream.indirect_vreg.gather [hbm4b:s4+s5], $0x80, v4, vm0, $0xb8;
	[tilespmem:$0x19300] =	vst v63  }
0x1ca: {  	s2 =	simm.s32 $0xAB00  }
0x1cb: {  	[tilespmem:s2], [sflag:$0x2] =	stream.indirect_vreg.gather [hbm4b:s26+s5], $0x80, v4, vm0, $0xb8;
	[tilespmem:$0x19300] =	vst v63  }
0x1cc: {  	v4 =	vld [tilespmem:s30+$0xA00];
	_ =	sdelay $0x4  }
0x1cd: {  	v5 =	vshll.u32 v4, $0x2  }
0x1ce: {  	v4 =	vand.u32 $0x7, v4;
	v5 =	vand.u32 $0xFFFFFFE0, v5  }
0x1cf: {  	v4 =	vor.u32 v4, v5  }
0x1d0: {  	v5 =	vperm.xlane v4, v1;
	_ =	sdelay $0x1  }
0x1d1: {  	v5 =	vadd.s32 v2, v5;
	_ =	sdelay $0x1  }
0x1d2: {  	v4 =	vperm.xlane v4, v3;
	_ =	sdelay $0x1  }
0x1d3: {  	s7 =	simm.s32 $0xB300;
	v4 =	vadd.s32 v2, v4  }
0x1d4: {  	[tilespmem:s7], [sflag:$0x2] =	stream.indirect_vreg.gather [hbm4b:s4+s5], $0x80, v5, vm0, $0xb8;
	[tilespmem:$0x19300] =	vst v63  }
0x1d5: {  	s17 =	simm.s32 $0xBB00  }
0x1d6: {  	[tilespmem:s17], [sflag:$0x2] =	stream.indirect_vreg.gather [hbm4b:s26+s5], $0x80, v5, vm0, $0xb8;
	[tilespmem:$0x19300] =	vst v63  }
0x1d7: {  	s30 =	simm.s32 $0xC300  }
0x1d8: {  	[tilespmem:s30], [sflag:$0x2] =	stream.indirect_vreg.gather [hbm4b:s4+s5], $0x80, v4, vm0, $0xb8;
	[tilespmem:$0x19300] =	vst v63  }
0x1d9: {  	s31 =	simm.s32 $0xCB00  }
0x1da: {  	[tilespmem:s31], [sflag:$0x2] =	stream.indirect_vreg.gather [hbm4b:s26+s5], $0x80, v4, vm0, $0xb8;
	[tilespmem:$0x19300] =	vst v63  }
.LBB2_8:
0x1db: {  	_ =	swait.ge [sflag:s22], $0x6000  }
0x1dc: {  	[sflag:s22] =	ssyncset.done $0x0  }
0x1dd: {  	[sflag:s22] =	ssyncadd.s32 $0xFFFFA000  }
0x1de: {  	s0 =	simm.s32 $0x0;
	_ =	swait.ge [sflag:s23], $0x6000  }
0x1df: {  	s2 =	sand.u32 $0x7000, s0;
	s0 =	sand.u32 $0x380, s0;
	[sflag:s23] =	ssyncset.done $0x0  }
0x1e0: {  	s30 =	sor.u32 s0, s2;
	[sflag:s23] =	ssyncadd.s32 $0xFFFFA000  }
0x1e1: {  	v11 =	vld [tilespmem:s30+$0x13300]  }
0x1e2: {  	v12 =	vld [tilespmem:s30+$0x13310]  }
0x1e3: {  	v13 =	vld [tilespmem:s30+$0x13320]  }
0x1e4: {  	v14 =	vld [tilespmem:s30+$0x13330]  }
0x1e5: {  	v15 =	vld [tilespmem:s30+$0x13340]  }
0x1e6: {  	v16 =	vld [tilespmem:s30+$0x13350]  }
0x1e7: {  	v17 =	vld [tilespmem:s30+$0x13360]  }
0x1e8: {  	v18 =	vld [tilespmem:s30+$0x13370]  }
0x1e9: {  	v19 =	vld [tilespmem:s30+$0x13700]  }
0x1ea: {  	v20 =	vld [tilespmem:s30+$0x13710]  }
0x1eb: {  	v21 =	vld [tilespmem:s30+$0x13720]  }
0x1ec: {  	v22 =	vld [tilespmem:s30+$0x13730]  }
0x1ed: {  	v23 =	vld [tilespmem:s30+$0x13740]  }
0x1ee: {  	v24 =	vld [tilespmem:s30+$0x13750]  }
0x1ef: {  	v25 =	vld [tilespmem:s30+$0x13760]  }
0x1f0: {  	v26 =	vld [tilespmem:s30+$0x13770]  }
0x1f1: {  	v27 =	vld [tilespmem:s30+$0x13B00]  }
0x1f2: {  	v28 =	vld [tilespmem:s30+$0x13B10]  }
0x1f3: {  	v29 =	vld [tilespmem:s30+$0x13B20]  }
0x1f4: {  	v30 =	vld [tilespmem:s30+$0x13B30]  }
0x1f5: {  	v31 =	vld [tilespmem:s30+$0x13B40]  }
0x1f6: {  	v32 =	vld [tilespmem:s30+$0x13B50]  }
0x1f7: {  	v33 =	vld [tilespmem:s30+$0x13B60]  }
0x1f8: {  	v34 =	vld [tilespmem:s30+$0x13B70]  }
0x1f9: {  	v35 =	vld [tilespmem:s30+$0x13F00]  }
0x1fa: {  	v10 =	vld [tilespmem:s30+$0x13F10]  }
0x1fb: {  	v9 =	vld [tilespmem:s30+$0x13F20]  }
0x1fc: {  	v8 =	vld [tilespmem:s30+$0x13F30]  }
0x1fd: {  	v7 =	vld [tilespmem:s30+$0x13F40]  }
0x1fe: {  	v6 =	vld [tilespmem:s30+$0x13F50]  }
0x1ff: {  	v5 =	vld [tilespmem:s30+$0x13F60]  }
0x200: {  	v4 =	vld [tilespmem:s30+$0x13F70]  }
0x201: {  	v36 =	vld [tilespmem:s30+$0xD300]  }
0x202: {  	v37 =	vld [tilespmem:s30+$0xD310]  }
0x203: {  	v38 =	vld [tilespmem:s30+$0xD320]  }
0x204: {  	v39 =	vld [tilespmem:s30+$0xD330]  }
0x205: {  	v40 =	vld [tilespmem:s30+$0xD340]  }
0x206: {  	v62 =	vld [tilespmem:s30+$0xD350];
	v11 =	vadd.f32 v11, v36  }
0x207: {  	v63 =	vld [tilespmem:s30+$0xD360];
	v12 =	vadd.f32 v12, v37  }
0x208: {  	[tilespmem:s30+$0xD300] =	vst v11;
	v11 =	vadd.f32 v13, v38;
	v13 =	vld [tilespmem:s30+$0xD370]  }
0x209: {  	[tilespmem:s30+$0xD310] =	vst v12;
	v12 =	vadd.f32 v14, v39;
	v14 =	vld [tilespmem:s30+$0xD700]  }
0x20a: {  	[tilespmem:s30+$0xD320] =	vst v11;
	v11 =	vadd.f32 v15, v40;
	v15 =	vld [tilespmem:s30+$0xD710]  }
0x20b: {  	[tilespmem:s30+$0xD330] =	vst v12;
	v12 =	vadd.f32 v16, v62;
	v16 =	vld [tilespmem:s30+$0xD720]  }
0x20c: {  	[tilespmem:s30+$0xD340] =	vst v11;
	v11 =	vadd.f32 v17, v63;
	v17 =	vld [tilespmem:s30+$0xD730]  }
0x20d: {  	[tilespmem:s30+$0xD350] =	vst v12;
	v12 =	vadd.f32 v18, v13;
	v13 =	vld [tilespmem:s30+$0xD740]  }
0x20e: {  	[tilespmem:s30+$0xD360] =	vst v11;
	v11 =	vadd.f32 v19, v14;
	v14 =	vld [tilespmem:s30+$0xD750]  }
0x20f: {  	[tilespmem:s30+$0xD370] =	vst v12;
	v12 =	vadd.f32 v20, v15;
	v15 =	vld [tilespmem:s30+$0xD760]  }
0x210: {  	[tilespmem:s30+$0xD700] =	vst v11;
	v11 =	vadd.f32 v21, v16;
	v16 =	vld [tilespmem:s30+$0xD770]  }
0x211: {  	[tilespmem:s30+$0xD710] =	vst v12;
	v12 =	vadd.f32 v22, v17;
	v17 =	vld [tilespmem:s30+$0xDB00]  }
0x212: {  	[tilespmem:s30+$0xD720] =	vst v11;
	v11 =	vadd.f32 v23, v13;
	v13 =	vld [tilespmem:s30+$0xDB10]  }
0x213: {  	[tilespmem:s30+$0xD730] =	vst v12;
	v12 =	vadd.f32 v24, v14;
	v14 =	vld [tilespmem:s30+$0xDB20]  }
0x214: {  	[tilespmem:s30+$0xD740] =	vst v11;
	v11 =	vadd.f32 v25, v15;
	v15 =	vld [tilespmem:s30+$0xDB30]  }
0x215: {  	[tilespmem:s30+$0xD750] =	vst v12;
	v12 =	vadd.f32 v26, v16;
	v16 =	vld [tilespmem:s30+$0xDB40]  }
0x216: {  	[tilespmem:s30+$0xD760] =	vst v11;
	v11 =	vadd.f32 v27, v17;
	v17 =	vld [tilespmem:s30+$0xDB50]  }
0x217: {  	v18 =	vld [tilespmem:s30+$0xDB60];
	[tilespmem:s30+$0xD770] =	vst v12;
	v12 =	vadd.f32 v28, v13  }
0x218: {  	v19 =	vld [tilespmem:s30+$0xDB70];
	[tilespmem:s30+$0xDB00] =	vst v11;
	v11 =	vadd.f32 v29, v14  }
0x219: {  	[tilespmem:s30+$0xDB10] =	vst v12;
	v12 =	vadd.f32 v30, v15;
	v15 =	vld [tilespmem:s30+$0xDF00]  }
0x21a: {  	v14 =	vld [tilespmem:s30+$0xDF10];
	[tilespmem:s30+$0xDB20] =	vst v11;
	v11 =	vadd.f32 v31, v16  }
0x21b: {  	v13 =	vld [tilespmem:s30+$0xDF20];
	[tilespmem:s30+$0xDB30] =	vst v12;
	v12 =	vadd.f32 v32, v17  }
0x21c: {  	v16 =	vadd.f32 v33, v18;
	[tilespmem:s30+$0xDB40] =	vst v11;
	v11 =	vld [tilespmem:s30+$0xDF30]  }
0x21d: {  	v17 =	vadd.f32 v34, v19;
	[tilespmem:s30+$0xDB50] =	vst v12;
	v12 =	vld [tilespmem:s30+$0xDF40]  }
0x21e: {  	s2 =	simm.s32 $0x80;
	s0 =	simm.s32 $0x200;
	[tilespmem:s30+$0xDB60] =	vst v16;
	v16 =	vadd.f32 v35, v15;
	v15 =	vld [tilespmem:s30+$0xDF50]  }
.LBB2_9:
0x21f: {  	s7 =	sand.u32 $0x7000, s0;
	s17 =	sand.u32 $0x380, s2;
	p0 =	sne.s32 s0, $0x5E00;
	[tilespmem:s30+$0xDB70] =	vst v17;
	v10 =	vadd.f32 v10, v14;
	v14 =	vld [tilespmem:s30+$0xDF60]  }
0x220: {  	s7 =	sor.u32 s17, s7;
	[tilespmem:s30+$0xDF00] =	vst v16;
	v9 =	vadd.f32 v9, v13;
	v13 =	vld [tilespmem:s30+$0xDF70]  }
0x221: {  	v16 =	vld [tilespmem:s7+$0x13300];
	[tilespmem:s30+$0xDF10] =	vst v10;
	v8 =	vadd.f32 v8, v11  }
0x222: {  	v11 =	vld [tilespmem:s7+$0x13310];
	[tilespmem:s30+$0xDF20] =	vst v9;
	v7 =	vadd.f32 v7, v12  }
0x223: {  	v12 =	vld [tilespmem:s7+$0x13320];
	[tilespmem:s30+$0xDF30] =	vst v8;
	v6 =	vadd.f32 v6, v15  }
0x224: {  	v15 =	vld [tilespmem:s7+$0x13330];
	[tilespmem:s30+$0xDF40] =	vst v7;
	v5 =	vadd.f32 v5, v14  }
0x225: {  	v14 =	vld [tilespmem:s7+$0x13340];
	[tilespmem:s30+$0xDF50] =	vst v6;
	v4 =	vadd.f32 v4, v13  }
0x226: {  	v13 =	vld [tilespmem:s7+$0x13350];
	[tilespmem:s30+$0xDF60] =	vst v5  }
0x227: {  	v17 =	vld [tilespmem:s7+$0x13360];
	[tilespmem:s30+$0xDF70] =	vst v4;
	s30 =	smov.u32 s7  }
0x228: {  	v18 =	vld [tilespmem:s30+$0x13370]  }
0x229: {  	v19 =	vld [tilespmem:s30+$0x13700]  }
0x22a: {  	v20 =	vld [tilespmem:s30+$0x13710]  }
0x22b: {  	v21 =	vld [tilespmem:s30+$0x13720]  }
0x22c: {  	v22 =	vld [tilespmem:s30+$0x13730]  }
0x22d: {  	v23 =	vld [tilespmem:s30+$0x13740]  }
0x22e: {  	v24 =	vld [tilespmem:s30+$0x13750]  }
0x22f: {  	v25 =	vld [tilespmem:s30+$0x13760]  }
0x230: {  	v26 =	vld [tilespmem:s30+$0x13770]  }
0x231: {  	v27 =	vld [tilespmem:s30+$0x13B00]  }
0x232: {  	v28 =	vld [tilespmem:s30+$0x13B10]  }
0x233: {  	v29 =	vld [tilespmem:s30+$0x13B20]  }
0x234: {  	v30 =	vld [tilespmem:s30+$0x13B30]  }
0x235: {  	v31 =	vld [tilespmem:s30+$0x13B40]  }
0x236: {  	v32 =	vld [tilespmem:s30+$0x13B50]  }
0x237: {  	v33 =	vld [tilespmem:s30+$0x13B60]  }
0x238: {  	v34 =	vld [tilespmem:s30+$0x13B70]  }
0x239: {  	v35 =	vld [tilespmem:s30+$0x13F00]  }
0x23a: {  	v10 =	vld [tilespmem:s30+$0x13F10]  }
0x23b: {  	v9 =	vld [tilespmem:s30+$0x13F20]  }
0x23c: {  	v8 =	vld [tilespmem:s30+$0x13F30]  }
0x23d: {  	v7 =	vld [tilespmem:s30+$0x13F40]  }
0x23e: {  	v6 =	vld [tilespmem:s30+$0x13F50]  }
0x23f: {  	v5 =	vld [tilespmem:s30+$0x13F60]  }
0x240: {  	v4 =	vld [tilespmem:s30+$0x13F70]  }
0x241: {  	v36 =	vld [tilespmem:s30+$0xD300]  }
0x242: {  	v37 =	vld [tilespmem:s30+$0xD310]  }
0x243: {  	v38 =	vld [tilespmem:s30+$0xD320]  }
0x244: {  	v39 =	vld [tilespmem:s30+$0xD330]  }
0x245: {  	v40 =	vld [tilespmem:s30+$0xD340]  }
0x246: {  	v16 =	vadd.f32 v16, v36;
	v36 =	vld [tilespmem:s30+$0xD350]  }
0x247: {  	v11 =	vadd.f32 v11, v37;
	v37 =	vld [tilespmem:s30+$0xD360]  }
0x248: {  	[tilespmem:s30+$0xD300] =	vst v16;
	v12 =	vadd.f32 v12, v38;
	v16 =	vld [tilespmem:s30+$0xD370]  }
0x249: {  	[tilespmem:s30+$0xD310] =	vst v11;
	v11 =	vadd.f32 v15, v39;
	v15 =	vld [tilespmem:s30+$0xD700]  }
0x24a: {  	[tilespmem:s30+$0xD320] =	vst v12;
	v12 =	vadd.f32 v14, v40;
	v14 =	vld [tilespmem:s30+$0xD710]  }
0x24b: {  	[tilespmem:s30+$0xD330] =	vst v11;
	v11 =	vadd.f32 v13, v36;
	v13 =	vld [tilespmem:s30+$0xD720]  }
0x24c: {  	[tilespmem:s30+$0xD340] =	vst v12;
	v12 =	vadd.f32 v17, v37;
	v17 =	vld [tilespmem:s30+$0xD730]  }
0x24d: {  	[tilespmem:s30+$0xD350] =	vst v11;
	v11 =	vadd.f32 v18, v16;
	v16 =	vld [tilespmem:s30+$0xD740]  }
0x24e: {  	[tilespmem:s30+$0xD360] =	vst v12;
	v12 =	vadd.f32 v19, v15;
	v15 =	vld [tilespmem:s30+$0xD750]  }
0x24f: {  	[tilespmem:s30+$0xD370] =	vst v11;
	v11 =	vadd.f32 v20, v14;
	v14 =	vld [tilespmem:s30+$0xD760]  }
0x250: {  	[tilespmem:s30+$0xD700] =	vst v12;
	v12 =	vadd.f32 v21, v13;
	v13 =	vld [tilespmem:s30+$0xD770]  }
0x251: {  	[tilespmem:s30+$0xD710] =	vst v11;
	v11 =	vadd.f32 v22, v17;
	v17 =	vld [tilespmem:s30+$0xDB00]  }
0x252: {  	[tilespmem:s30+$0xD720] =	vst v12;
	v12 =	vadd.f32 v23, v16;
	v16 =	vld [tilespmem:s30+$0xDB10]  }
0x253: {  	[tilespmem:s30+$0xD730] =	vst v11;
	v11 =	vadd.f32 v24, v15;
	v15 =	vld [tilespmem:s30+$0xDB20]  }
0x254: {  	[tilespmem:s30+$0xD740] =	vst v12;
	v12 =	vadd.f32 v25, v14;
	v14 =	vld [tilespmem:s30+$0xDB30]  }
0x255: {  	[tilespmem:s30+$0xD750] =	vst v11;
	v11 =	vadd.f32 v26, v13;
	v13 =	vld [tilespmem:s30+$0xDB40]  }
0x256: {  	[tilespmem:s30+$0xD760] =	vst v12;
	v12 =	vadd.f32 v27, v17;
	v17 =	vld [tilespmem:s30+$0xDB50]  }
0x257: {  	[tilespmem:s30+$0xD770] =	vst v11;
	v11 =	vadd.f32 v28, v16;
	v16 =	vld [tilespmem:s30+$0xDB60]  }
0x258: {  	[tilespmem:s30+$0xDB00] =	vst v12;
	v12 =	vadd.f32 v29, v15;
	v15 =	vld [tilespmem:s30+$0xDB70]  }
0x259: {  	[tilespmem:s30+$0xDB10] =	vst v11;
	v11 =	vadd.f32 v30, v14;
	v18 =	vld [tilespmem:s30+$0xDF00]  }
.Ltmp3:
0x25a: {  	[tilespmem:s30+$0xDB20] =	vst v12;
	v12 =	vadd.f32 v31, v13;
	v14 =	vld [tilespmem:s30+$0xDF10];
	(pc) =	sbr.rel @p0 .LBB2_9-.Ltmp3, $4  }
0x25b: {  	[tilespmem:s30+$0xDB30] =	vst v11;
	v17 =	vadd.f32 v32, v17;
	v13 =	vld [tilespmem:s30+$0xDF20]  }
0x25c: {  	[tilespmem:s30+$0xDB40] =	vst v12;
	v16 =	vadd.f32 v33, v16;
	v11 =	vld [tilespmem:s30+$0xDF30]  }
0x25d: {  	[tilespmem:s30+$0xDB50] =	vst v17;
	v17 =	vadd.f32 v34, v15;
	v12 =	vld [tilespmem:s30+$0xDF40]  }
0x25e: {  	s2 =	sadd.s32 $0x80, s2;
	s0 =	sadd.s32 $0x200, s0;
	[tilespmem:s30+$0xDB60] =	vst v16;
	v16 =	vadd.f32 v35, v18;
	v15 =	vld [tilespmem:s30+$0xDF50]  }
0x25f: {  	[tilespmem:s30+$0xDB70] =	vst v17;
	v10 =	vadd.f32 v10, v14;
	v62 =	vld [tilespmem:s30+$0xDF60]  }
0x260: {  	v63 =	vld [tilespmem:s30+$0xDF70];
	[tilespmem:s30+$0xDF00] =	vst v16;
	v9 =	vadd.f32 v9, v13  }
0x261: {  	[tilespmem:s30+$0xDF10] =	vst v10;
	v8 =	vadd.f32 v8, v11  }
0x262: {  	s28 =	sadd.s32 $0x1, s28;
	[tilespmem:s30+$0xDF20] =	vst v9;
	v7 =	vadd.f32 v7, v12  }
0x263: {  	p0 =	sne.s32 s28, $0x19;
	[tilespmem:s30+$0xDF30] =	vst v8;
	v6 =	vadd.f32 v6, v15  }
.Ltmp4:
0x264: {  	[tilespmem:s30+$0xDF40] =	vst v7;
	v5 =	vadd.f32 v5, v62;
	(pc) =	sbr.rel @p0 .LBB2_4-.Ltmp4, $4  }
0x265: {  	s0 =	sadd.s32 s6, s29;
	v4 =	vadd.f32 v4, v63;
	[tilespmem:s30+$0xDF50] =	vst v6  }
0x266: {  	s0 =	sshll.u32 s0, $0x6;
	[tilespmem:s30+$0xDF60] =	vst v5  }
0x267: {  	s0 =	sadd.s32 s3, s0;
	[tilespmem:s30+$0xDF70] =	vst v4  }
0x268: {  	[hbm4b:s0+s5] =	stream.linear.scatter [tilespmem:s19], [sflag:$0x6], $0x6000, $0x38;
	[tilespmem:$0x19300] =	vst v63  }
0x269: {  	_ =	swait.ge [sflag:s24], $0x6000  }
0x26a: {  	[sflag:s24] =	ssyncset.done $0x0  }
0x26b: {  	s2 =	simm.s32 $0x6;
	[sflag:s24] =	ssyncadd.s32 $0xFFFFA000  }
0x26c: {  	_ =	swait.ge [sflag:s2], $0x6000  }
0x26d: {  	s7 =	rddreg [dreg:$0xc]  }
0x26e: {  	s0 =	rddreg [dreg:$0x9];
	s7 =	sadd.s32 $0x1, s7  }
0x26f: {  	p0 =	sne.s32 s7, s0  }
.Ltmp5:
0x270: {  	_ = 	snop;
	(pc) =	sbr.rel @p0 .LBB2_1-.Ltmp5, $3  }
0x271: {  	_ =	sdelay $0x1  }
0x272: {  	[sflag:s2] =	ssyncset.done $0x0  }
0x273: {  	[sflag:s2] =	ssyncadd.s32 $0xFFFFA000  }
0x274: {  	_ =	sfence.sel $0x180000  }
0x275: {  	[bflag:$0x0] =	sbarrier.arrive $0xFFFF  }
0x276: {  	_ =	strace $0x90000047  }
0x277: {  	s0 =	stileid.u32;
	[bflag:$0x2] =	sbarrier.arrive $0xFFFF  }
0x278: {  	p0 =	sne.s32 s0, $0x0;
	s0 =	rddreg [dreg:$0x4]  }
0x279: {  	s0 =	sadd.s32 @!p0 $0x100000, s0  }
0x27a: {  	[sflag:s0] =	ssyncadd.tile.s32 @!p0 $0x1;
	_ =	shalt  }
.Lfunc_end2:
_tile_overlayer_lowered:
.L_overlay_start_2:
0x27b: {  	(tag) =	ssettag $0x2  }
0x27c: {  	s0 =	rddreg [dreg:$0x0];
	s2 =	stileid.u32  }
0x27d: {  	s1 =	rddreg [dreg:$0x1];
	p0 =	sne.s32 s2, $0x0  }
0x27e: {  	s3 =	rddreg [dreg:$0x2];
	[bflag:$0x3] =	sbarrier.arrive $0xFFFF;
	s2 =	simm.s32 @!p0 $0x1C07  }
0x27f: {  	[timem:s3], [sflag:s2] =	dma.local @!p0 [hbm:s0], s1  }
0x280: {  	s0 =	simm.s32 @!p0 $0x7  }
0x281: {  	_ =	swait.ge @!p0 [sflag:s0], s1  }
0x282: {  	s1 =	ssub.s32 @!p0 $0x0, s1;
	[sflag:s0] =	ssyncset.done @!p0 $0x0  }
0x283: {  	[sflag:s0] =	ssyncadd.s32 @!p0 s1  }
0x284: {  	[bflag:$0x3] =	sbarrier.arrive $0xFFFF  }
0x285: {  	_ =	shalt  }

</sc_bundles>
